<compile_context>
chip_gen: v7x
topology: tpu7x:2x2x1
jax: 0.10.2.dev20260603
libtpu: 0.0.44.dev20260713+nightly
codegen_flags: <defaults>
</compile_context>

<pallas_src>
import functools

import jax
import jax.numpy as jnp
from jax import lax
from jax.experimental import pallas as pl
from jax.experimental.pallas import tpu as pltpu
from jax.experimental.pallas import tpu_sc as plsc

N = 10000
E = 320000
D_IN = 128
D_H = 256
D_OUT = 128

NC = 2
NS = 16
NW = NC * NS
EPT = E // NW
CHUNK = 125
NCHUNK = EPT // CHUNK
GRP = 16
NGROUP = NCHUNK // GRP
RPS = N // NS

_mesh = plsc.VectorSubcoreMesh(core_axis_name="c", subcore_axis_name="s")


def _make_sc_segsum(with_deg: bool):
    out_type = [jax.ShapeDtypeStruct((NC, N, 128), jnp.float32)]
    scratch = (
        [pltpu.VMEM((GRP, CHUNK), jnp.int32) for _ in range(2)]
        + [pltpu.VMEM((GRP, CHUNK), jnp.int32)]
        + [pltpu.VMEM((CHUNK, 128), jnp.float32) for _ in range(2)]
        + [pltpu.VMEM_SHARED((N, 128), jnp.float32)]
        + [pltpu.SemaphoreType.DMA for _ in range(2)]
    )
    if with_deg:
        out_type.append(jax.ShapeDtypeStruct((NC, N, 16), jnp.float32))
        scratch += (
            [pltpu.VMEM((CHUNK, 16), jnp.float32)]
            + [pltpu.VMEM_SHARED((N, 16), jnp.float32)]
        )

    def body(table, srcr, dstr, zrows, *rest):
        if with_deg:
            (zdeg, ones_h, p_out, degp_out, idxs0, idxs1, idx_d, rows0,
             rows1, acc, sem0, sem1, ones_v, accd) = rest
        else:
            (p_out, idxs0, idxs1, idx_d, rows0, rows1, acc, sem0,
             sem1) = rest
        idx_s = (idxs0, idxs1)
        c = lax.axis_index("c")
        s = lax.axis_index("s")
        wid = s * NC + c
        r0 = s * RPS
        pltpu.async_copy(zrows.at[pl.ds(r0, RPS)], acc.at[pl.ds(r0, RPS)],
                         sem0)
        pltpu.async_copy(srcr.at[wid, pl.ds(0, GRP)], idxs0, sem1)
        if with_deg:
            pltpu.sync_copy(zdeg.at[pl.ds(r0, RPS)], accd.at[pl.ds(r0, RPS)])
            pltpu.sync_copy(ones_h, ones_v)
        pltpu.make_async_copy(zrows.at[pl.ds(r0, RPS)],
                              acc.at[pl.ds(r0, RPS)], sem0).wait()
        pltpu.make_async_copy(srcr.at[wid, pl.ds(0, GRP)], idxs0,
                              sem1).wait()
        plsc.subcore_barrier()

        def both_parities(par, fn):
            @pl.when(par == 0)
            def _():
                fn(0)

            @pl.when(par == 1)
            def _():
                fn(1)

        def gather(j, buf, sem):
            def issue(par):
                pltpu.async_copy(table.at[idx_s[par].at[j % GRP]], buf, sem)

            both_parities((j // GRP) % 2, issue)

        def drain_scatter(jm, buf, sem):
            pltpu.make_async_copy(table.at[idxs0.at[0]], buf, sem).wait()
            pltpu.sync_copy(buf, acc.at[idx_d.at[jm]], add=True)
            if with_deg:
                pltpu.sync_copy(ones_v, accd.at[idx_d.at[jm]], add=True)

        gather(0, rows0, sem0)

        def step(t, carry):
            j0 = 2 * t
            g = j0 // GRP
            jm = j0 % GRP

            @pl.when(jm == 0)
            def _():
                pltpu.sync_copy(dstr.at[wid, pl.ds(g * GRP, GRP)], idx_d)

            gather(j0 + 1, rows1, sem1)
            drain_scatter(jm, rows0, sem0)

            @pl.when(jnp.logical_and(jm == GRP // 4, g + 1 < NGROUP))
            def _():
                def load(par):
                    pltpu.sync_copy(srcr.at[wid, pl.ds((g + 1) * GRP, GRP)],
                                    idx_s[par])

                both_parities((g + 1) % 2, load)

            @pl.when(t + 1 < NCHUNK // 2)
            def _():
                gather(j0 + 2, rows0, sem0)

            drain_scatter(jm + 1, rows1, sem1)
            return carry

        lax.fori_loop(0, NCHUNK // 2, step, 0)
        plsc.subcore_barrier()
        pltpu.sync_copy(acc.at[pl.ds(r0, RPS)], p_out.at[c, pl.ds(r0, RPS)])
        if with_deg:
            pltpu.sync_copy(accd.at[pl.ds(r0, RPS)],
                            degp_out.at[c, pl.ds(r0, RPS)])

    return pl.kernel(body, out_type=out_type, mesh=_mesh,
                     scratch_types=scratch,
                     compiler_params=pltpu.CompilerParams(
                         use_tc_tiling_on_sc=False))


_sc_segsum_deg = _make_sc_segsum(with_deg=True)
_sc_segsum = _make_sc_segsum(with_deg=False)

BN = 1000
_GRID = N // BN


def _tc0_body(x, wr, bl, xr):
    xr[...] = (jnp.dot(x[...], wr[...], preferred_element_type=jnp.float32)
               + bl[...])


def _tc1_body(p, d, xr, wl, hpre, stats):
    i = pl.program_id(0)
    deg = jnp.maximum(d[0, :, 0:1] + d[1, :, 0:1], 1.0)
    agg = (p[0] + p[1]) / deg
    h = jnp.dot(agg, wl[...], preferred_element_type=jnp.float32) + xr[...]
    hpre[...] = h
    ss = jnp.concatenate([jnp.sum(h, 0, keepdims=True),
                          jnp.sum(h * h, 0, keepdims=True)], axis=0)

    @pl.when(i == 0)
    def _():
        stats[...] = ss

    @pl.when(i != 0)
    def _():
        stats[...] = stats[...] + ss


def _bn_relu(hpre, stats, gamma, beta):
    st = stats[...]
    mean = st[0:1, :] * (1.0 / N)
    var = st[1:2, :] * (1.0 / N) - mean * mean
    scale = gamma[...] * lax.rsqrt(var + 1e-5)
    return jnp.maximum((hpre[...] - mean) * scale + beta[...], 0.0)


def _tc2a_body(hpre, stats, gamma, beta, wl2, p2):
    h = _bn_relu(hpre, stats, gamma, beta)
    p2[...] = jnp.dot(h, wl2[...], preferred_element_type=jnp.float32)


def _tc2b_body(hpre, stats, gamma, beta, wr2, bl2, r2b):
    h = _bn_relu(hpre, stats, gamma, beta)
    r2b[...] = (jnp.dot(h, wr2[...], preferred_element_type=jnp.float32)
                + bl2[...])


def _tc3_body(q, d, r2b, out):
    deg = jnp.maximum(d[0, :, 0:1] + d[1, :, 0:1], 1.0)
    out[...] = (q[0] + q[1]) / deg + r2b[...]


def _row_spec(w):
    return pl.BlockSpec((BN, w), lambda i: (i, 0))


def _pair_spec(w):
    return pl.BlockSpec((2, BN, w), lambda i: (0, i, 0))


def _full_spec(shape):
    return pl.BlockSpec(shape, lambda i: tuple(0 for _ in shape))


_tc0 = pl.pallas_call(
    _tc0_body,
    grid=(_GRID,),
    in_specs=[_row_spec(128), _full_spec((128, 256)), _full_spec((1, 256))],
    out_specs=_row_spec(256),
    out_shape=jax.ShapeDtypeStruct((N, 256), jnp.float32),
)

_tc1 = pl.pallas_call(
    _tc1_body,
    grid=(_GRID,),
    in_specs=[_pair_spec(128), _pair_spec(16),
              _row_spec(256), _full_spec((128, 256))],
    out_specs=[_row_spec(256), _full_spec((2, 256))],
    out_shape=[jax.ShapeDtypeStruct((N, 256), jnp.float32),
               jax.ShapeDtypeStruct((2, 256), jnp.float32)],
)

_tc2a = pl.pallas_call(
    _tc2a_body,
    grid=(_GRID,),
    in_specs=[_row_spec(256), _full_spec((2, 256)), _full_spec((1, 256)),
              _full_spec((1, 256)), _full_spec((256, 128))],
    out_specs=_row_spec(128),
    out_shape=jax.ShapeDtypeStruct((N, 128), jnp.float32),
)

_tc2b = pl.pallas_call(
    _tc2b_body,
    grid=(_GRID,),
    in_specs=[_row_spec(256), _full_spec((2, 256)), _full_spec((1, 256)),
              _full_spec((1, 256)), _full_spec((256, 128)),
              _full_spec((1, 128))],
    out_specs=_row_spec(128),
    out_shape=jax.ShapeDtypeStruct((N, 128), jnp.float32),
)

_tc3 = pl.pallas_call(
    _tc3_body,
    grid=(_GRID,),
    in_specs=[_pair_spec(128), _pair_spec(16), _row_spec(128)],
    out_specs=_row_spec(128),
    out_shape=jax.ShapeDtypeStruct((N, 128), jnp.float32),
)


def kernel(x, edge_index, Wl1, bl1, Wr1, Wl2, bl2, Wr2, gamma, beta):
    src = edge_index[0].reshape(NW, NCHUNK, CHUNK)
    dst = edge_index[1].reshape(NW, NCHUNK, CHUNK)
    zrows = jnp.zeros((N, 128), jnp.float32)
    zdeg = jnp.zeros((N, 16), jnp.float32)
    ones_h = jnp.ones((CHUNK, 16), jnp.float32)

    xr = _tc0(x, Wr1, bl1.reshape(1, 256))
    P, degP = _sc_segsum_deg(x, src, dst, zrows, zdeg, ones_h)
    hpre, stats = _tc1(P, degP, xr, Wl1)
    gam = gamma.reshape(1, 256)
    bet = beta.reshape(1, 256)
    p2 = _tc2a(hpre, stats, gam, bet, Wl2)
    r2b = _tc2b(hpre, stats, gam, bet, Wr2, bl2.reshape(1, 128))
    (Q,) = _sc_segsum(p2, src, dst, zrows)
    out = _tc3(Q, degP, r2b)
    return out

# --- scband reference (transcript-rebuilt; emitter-appended) ---
"""Pipeline reference for scband-graph-sage-75101798138359 (READ-ONLY COPY).

The authoritative reference and input builder live on the scoring server;
editing this copy changes nothing except your own understanding.
"""

import jax, jax.numpy as jnp
import numpy as np

N = 10000
E = 320000
D_IN = 128
D_H = 256
D_OUT = 128


def setup_inputs(seed: int = 0) -> dict:
    key = jax.random.key(seed)
    ks = jax.random.split(key, 12)
    x = jax.random.normal(ks[0], (N, D_IN), dtype=jnp.float32)
    edge_index = jax.random.randint(ks[1], (2, E), 0, N, dtype=jnp.int32)
    # SAGEConv layer 1: lin_l (aggregated neighbors, with bias), lin_r (root, no bias)
    Wl1 = jax.random.normal(ks[2], (D_IN, D_H), dtype=jnp.float32) * (1.0 / np.sqrt(D_IN))
    bl1 = jnp.zeros((D_H,), dtype=jnp.float32)
    Wr1 = jax.random.normal(ks[3], (D_IN, D_H), dtype=jnp.float32) * (1.0 / np.sqrt(D_IN))
    # SAGEConv layer 2
    Wl2 = jax.random.normal(ks[4], (D_H, D_OUT), dtype=jnp.float32) * (1.0 / np.sqrt(D_H))
    bl2 = jnp.zeros((D_OUT,), dtype=jnp.float32)
    Wr2 = jax.random.normal(ks[5], (D_H, D_OUT), dtype=jnp.float32) * (1.0 / np.sqrt(D_H))
    # BatchNorm1d after first conv only (i < num_layers - 1)
    gamma = jnp.ones((D_H,), dtype=jnp.float32)
    beta = jnp.zeros((D_H,), dtype=jnp.float32)
    return {"x": x, "edge_index": edge_index, "Wl1": Wl1, "bl1": bl1, "Wr1": Wr1,
            "Wl2": Wl2, "bl2": bl2, "Wr2": Wr2, "gamma": gamma, "beta": beta}


def sage_conv(x, edge_index, Wl, bl, Wr):
    src = edge_index[0]
    dst = edge_index[1]
    msgs = jnp.take(x, src, axis=0)                       # gather: [E, d]
    agg = jax.ops.segment_sum(msgs, dst, num_segments=N)  # scatter-add: [N, d]
    deg = jax.ops.segment_sum(jnp.ones((edge_index.shape[1],), x.dtype), dst, num_segments=N)
    agg = agg / jnp.clip(deg, 1.0, None)[:, None]          # mean aggregation
    return agg @ Wl + bl + x @ Wr


def batch_norm(h, gamma, beta, eps=1e-5):
    mean = jnp.mean(h, axis=0)
    var = jnp.var(h, axis=0)
    return (h - mean) / jnp.sqrt(var + eps) * gamma + beta


def reference(x, edge_index, Wl1, bl1, Wr1, Wl2, bl2, Wr2, gamma, beta):
    h = sage_conv(x, edge_index, Wl1, bl1, Wr1)
    h = batch_norm(h, gamma, beta)
    h = jax.nn.relu(h)
    # dropout(p=0.2) omitted for determinism (identity)
    out = sage_conv(h, edge_index, Wl2, bl2, Wr2)
    return out

if __name__ == "__main__":
    import jax
    _d = setup_inputs()
    print(jax.jit(kernel)(*tuple(_d.values())))

</pallas_src>

<mosaic_0001>
#map = affine_map<(d0, d1) -> (0, 0)>
#map1 = affine_map<(d0, d1) -> (0, 0, 0)>
module attributes {stable_mosaic.version = 14 : i64} {
  func.func @body(%arg0: i32, %arg1: i32, %arg2: memref<10000x128xf32, #tpu.memory_space<hbm>>, %arg3: memref<32x80x125xi32, #tpu.memory_space<hbm>>, %arg4: memref<32x80x125xi32, #tpu.memory_space<hbm>>, %arg5: memref<10000x128xf32, #tpu.memory_space<hbm>>, %arg6: memref<2x10000x128xf32, #tpu.memory_space<hbm>>, %arg7: memref<16x125xi32, #tpu.memory_space<vmem>>, %arg8: memref<16x125xi32, #tpu.memory_space<vmem>>, %arg9: memref<16x125xi32, #tpu.memory_space<vmem>>, %arg10: memref<125x128xf32, #tpu.memory_space<vmem>>, %arg11: memref<125x128xf32, #tpu.memory_space<vmem>>, %arg12: memref<10000x128xf32, #tpu.memory_space<vmem_shared>>, %arg13: memref<!tpu.dma_semaphore, #tpu.memory_space<semaphore_mem>>, %arg14: memref<!tpu.dma_semaphore, #tpu.memory_space<semaphore_mem>>) attributes {dimension_semantics = [#tpu.dimension_semantics<core_parallel>, #tpu.dimension_semantics<subcore_parallel>], iteration_bounds = array<i64: 2, 16>, scalar_prefetch = 0 : i64, scratch_operands = 8 : i64, tpu.core_type = #tpu.core_type<sc_vector_subcore>, window_params = [{transform_indices = #map}, {transform_indices = #map1}, {transform_indices = #map1}, {transform_indices = #map}, {transform_indices = #map1}]} {
    %mul3A = arith.constant 2 : i32
    %mul3A_0 = arith.muli %arg1, %mul3A : i32
    %add3A = arith.addi %mul3A_0, %arg0 : i32
    %mul3A_1 = arith.constant 625 : i32
    %mul3A_2 = arith.muli %arg1, %mul3A_1 : i32
    %dma_start3A = arith.constant 0 : i32
    %dma_start3A_3 = tpu.memref_slice %arg12[%mul3A_2, %dma_start3A] : memref<10000x128xf32, #tpu.memory_space<vmem_shared>> -> memref<625x128xf32, #tpu.memory_space<vmem_shared>>
    %dma_start3A_4 = arith.constant 0 : i32
    %dma_start3A_5 = tpu.memref_slice %arg5[%mul3A_2, %dma_start3A_4] : memref<10000x128xf32, #tpu.memory_space<hbm>> -> memref<625x128xf32, #tpu.memory_space<hbm>>
    tpu.enqueue_dma source(%dma_start3A_5 : memref<625x128xf32, #tpu.memory_space<hbm>>) target(%dma_start3A_3 : memref<625x128xf32, #tpu.memory_space<vmem_shared>>) target_semaphore(%arg13 : memref<!tpu.dma_semaphore, #tpu.memory_space<semaphore_mem>>)
    %dma_start3A_6 = arith.constant 0 : i32
    %dma_start3A_7 = arith.constant 0 : i32
    %dma_start3A_8 = tpu.memref_slice %arg3[%add3A, %dma_start3A_6, %dma_start3A_7] : memref<32x80x125xi32, #tpu.memory_space<hbm>> -> memref<1x16x125xi32, #tpu.memory_space<hbm>>
    %dma_start3A_9 = tpu.memref_squeeze %dma_start3A_8 : memref<1x16x125xi32, #tpu.memory_space<hbm>> -> memref<16x125xi32, #tpu.memory_space<hbm>>
    %dma_start3A_10 = arith.constant 0 : i32
    %dma_start3A_11 = arith.constant 0 : i32
    %dma_start3A_12 = tpu.memref_slice %arg3[%add3A, %dma_start3A_10, %dma_start3A_11] : memref<32x80x125xi32, #tpu.memory_space<hbm>> -> memref<1x16x125xi32, #tpu.memory_space<hbm>>
    %dma_start3A_13 = tpu.memref_squeeze %dma_start3A_12 : memref<1x16x125xi32, #tpu.memory_space<hbm>> -> memref<16x125xi32, #tpu.memory_space<hbm>>
    tpu.enqueue_dma source(%dma_start3A_13 : memref<16x125xi32, #tpu.memory_space<hbm>>) target(%arg7 : memref<16x125xi32, #tpu.memory_space<vmem>>) target_semaphore(%arg14 : memref<!tpu.dma_semaphore, #tpu.memory_space<semaphore_mem>>)
    %dma_wait3A = arith.constant 0 : i32
    %dma_wait3A_14 = tpu.memref_slice %arg12[%mul3A_2, %dma_wait3A] : memref<10000x128xf32, #tpu.memory_space<vmem_shared>> -> memref<625x128xf32, #tpu.memory_space<vmem_shared>>
    %dma_wait3A_15 = arith.constant 0 : i32
    %dma_wait3A_16 = tpu.memref_slice %arg5[%mul3A_2, %dma_wait3A_15] : memref<10000x128xf32, #tpu.memory_space<hbm>> -> memref<625x128xf32, #tpu.memory_space<hbm>>
    tpu.wait_dma2 semaphore(%arg13 : memref<!tpu.dma_semaphore, #tpu.memory_space<semaphore_mem>>) src(%dma_wait3A_16 : memref<625x128xf32, #tpu.memory_space<hbm>>) dst(%dma_wait3A_14 : memref<625x128xf32, #tpu.memory_space<vmem_shared>>)
    %dma_wait3A_17 = arith.constant 0 : i32
    %dma_wait3A_18 = arith.constant 0 : i32
    %dma_wait3A_19 = tpu.memref_slice %arg3[%add3A, %dma_wait3A_17, %dma_wait3A_18] : memref<32x80x125xi32, #tpu.memory_space<hbm>> -> memref<1x16x125xi32, #tpu.memory_space<hbm>>
    %dma_wait3A_20 = tpu.memref_squeeze %dma_wait3A_19 : memref<1x16x125xi32, #tpu.memory_space<hbm>> -> memref<16x125xi32, #tpu.memory_space<hbm>>
    %dma_wait3A_21 = arith.constant 0 : i32
    %dma_wait3A_22 = arith.constant 0 : i32
    %dma_wait3A_23 = tpu.memref_slice %arg3[%add3A, %dma_wait3A_21, %dma_wait3A_22] : memref<32x80x125xi32, #tpu.memory_space<hbm>> -> memref<1x16x125xi32, #tpu.memory_space<hbm>>
    %dma_wait3A_24 = tpu.memref_squeeze %dma_wait3A_23 : memref<1x16x125xi32, #tpu.memory_space<hbm>> -> memref<16x125xi32, #tpu.memory_space<hbm>>
    tpu.wait_dma2 semaphore(%arg14 : memref<!tpu.dma_semaphore, #tpu.memory_space<semaphore_mem>>) src(%dma_wait3A_24 : memref<16x125xi32, #tpu.memory_space<hbm>>) dst(%arg7 : memref<16x125xi32, #tpu.memory_space<vmem>>)
    %barrier3A = arith.constant 0 : index
    tpu.barrier barrier_id(%barrier3A)
    %dma_start3A_25 = arith.constant 0 : i32
    %dma_start3A_26 = arith.constant 0 : i32
    %dma_start3A_27 = tpu.memref_slice %arg7[%dma_start3A_25, %dma_start3A_26] : memref<16x125xi32, #tpu.memory_space<vmem>> -> memref<1x125xi32, #tpu.memory_space<vmem>>
    %dma_start3A_28 = tpu.memref_squeeze %dma_start3A_27 : memref<1x125xi32, #tpu.memory_space<vmem>> -> memref<125xi32, #tpu.memory_space<vmem>>
    %dma_start3A_29 = arith.constant 0 : i32
    %dma_start3A_30 = arith.constant 0 : i32
    %dma_start3A_31 = tpu.memref_slice %arg2[%dma_start3A_29, %dma_start3A_30] : memref<10000x128xf32, #tpu.memory_space<hbm>> -> memref<10000x128xf32, #tpu.memory_space<hbm>>
    tpu.enqueue_indirect_dma source(%dma_start3A_31 : memref<10000x128xf32, #tpu.memory_space<hbm>>) target(%arg10 : memref<125x128xf32, #tpu.memory_space<vmem>>) offsets(%dma_start3A_28 : memref<125xi32, #tpu.memory_space<vmem>>) semaphore(%arg13 : memref<!tpu.dma_semaphore, #tpu.memory_space<semaphore_mem>>)
    %scan3A = arith.constant 0 : i32
    %scan3A_32 = arith.constant 0 : i32
    %scan3A_33 = arith.constant 40 : i32
    %scan3A_34 = arith.addi %scan3A_32, %scan3A_33 : i32
    %scan3A_35 = arith.constant 1 : i32
    scf.for %scan3A_38 = %scan3A_32 to %scan3A_34 step %scan3A_35  : i32 {
      %mul3A_39 = arith.constant 2 : i32
      %mul3A_40 = arith.muli %mul3A_39, %scan3A_38 : i32
      %jit3A = arith.constant 16 : i32
      %div3A = arith.divsi %mul3A_40, %jit3A : i32
      %sign3A = arith.constant 0 : i32
      %sign3A_41 = arith.cmpi sgt, %mul3A_40, %sign3A : i32
      %sign3A_42 = arith.extui %sign3A_41 : i1 to i32
      %sign3A_43 = arith.constant 0 : i32
      %sign3A_44 = arith.cmpi slt, %mul3A_40, %sign3A_43 : i32
      %sign3A_45 = arith.extui %sign3A_44 : i1 to i32
      %sign3A_46 = arith.subi %sign3A_42, %sign3A_45 : i32
      %sign3A_47 = arith.constant 0 : i32
      %sign3A_48 = arith.cmpi sgt, %jit3A, %sign3A_47 : i32
      %sign3A_49 = arith.extui %sign3A_48 : i1 to i32
      %sign3A_50 = arith.constant 0 : i32
      %sign3A_51 = arith.cmpi slt, %jit3A, %sign3A_50 : i32
      %sign3A_52 = arith.extui %sign3A_51 : i1 to i32
      %sign3A_53 = arith.subi %sign3A_49, %sign3A_52 : i32
      %ne3A = arith.cmpi ne, %sign3A_46, %sign3A_53 : i32
      %rem3A = arith.remsi %mul3A_40, %jit3A : i32
      %ne3A_54 = arith.constant 0 : i32
      %ne3A_55 = arith.cmpi ne, %rem3A, %ne3A_54 : i32
      %and3A = arith.andi %ne3A, %ne3A_55 : i1
      %sub3A = arith.constant 1 : i32
      %sub3A_56 = arith.subi %div3A, %sub3A : i32
      %select_n3A = arith.select %and3A, %sub3A_56, %div3A : i32
      %jit3A_57 = arith.constant 16 : i32
      %eq3A = arith.constant 0 : i32
      %eq3A_58 = arith.cmpi eq, %jit3A_57, %eq3A : i32
      %jit3A_59 = arith.constant 1 : i32
      %select_n3A_60 = arith.select %eq3A_58, %jit3A_59, %jit3A_57 : i32
      %rem3A_61 = arith.remsi %mul3A_40, %select_n3A_60 : i32
      %ne3A_62 = arith.constant 0 : i32
      %ne3A_63 = arith.cmpi ne, %rem3A_61, %ne3A_62 : i32
      %lt3A = arith.constant 0 : i32
      %lt3A_64 = arith.cmpi slt, %rem3A_61, %lt3A : i32
      %lt3A_65 = arith.constant 0 : i32
      %lt3A_66 = arith.cmpi slt, %select_n3A_60, %lt3A_65 : i32
      %ne3A_67 = arith.xori %lt3A_64, %lt3A_66 : i1
      %and3A_68 = arith.andi %ne3A_67, %ne3A_63 : i1
      %add3A_69 = arith.addi %rem3A_61, %select_n3A_60 : i32
      %select_n3A_70 = arith.select %and3A_68, %add3A_69, %rem3A_61 : i32
      %eq3A_71 = arith.constant 0 : i32
      %eq3A_72 = arith.cmpi eq, %select_n3A_70, %eq3A_71 : i32
      %convert_element_type3A = arith.extui %eq3A_72 : i1 to i32
      %cond3A = arith.constant 0 : i32
      %cond3A_73 = arith.cmpi ne, %convert_element_type3A, %cond3A : i32
      scf.if %cond3A_73 {
        %mul3A_159 = arith.constant 16 : i32
        %mul3A_160 = arith.muli %select_n3A, %mul3A_159 : i32
        "tpu.region"() ({
          %run_scoped3A = tpu.sem_alloc : memref<!tpu.dma_semaphore, #tpu.memory_space<semaphore_mem>>
          %dma_start3A_161 = arith.constant 0 : i32
          %dma_start3A_162 = tpu.memref_slice %arg4[%add3A, %mul3A_160, %dma_start3A_161] : memref<32x80x125xi32, #tpu.memory_space<hbm>> -> memref<1x16x125xi32, #tpu.memory_space<hbm>>
          %dma_start3A_163 = tpu.memref_squeeze %dma_start3A_162 : memref<1x16x125xi32, #tpu.memory_space<hbm>> -> memref<16x125xi32, #tpu.memory_space<hbm>>
          %dma_start3A_164 = arith.constant 0 : i32
          %dma_start3A_165 = tpu.memref_slice %arg4[%add3A, %mul3A_160, %dma_start3A_164] : memref<32x80x125xi32, #tpu.memory_space<hbm>> -> memref<1x16x125xi32, #tpu.memory_space<hbm>>
          %dma_start3A_166 = tpu.memref_squeeze %dma_start3A_165 : memref<1x16x125xi32, #tpu.memory_space<hbm>> -> memref<16x125xi32, #tpu.memory_space<hbm>>
          tpu.enqueue_dma source(%dma_start3A_166 : memref<16x125xi32, #tpu.memory_space<hbm>>) target(%arg9 : memref<16x125xi32, #tpu.memory_space<vmem>>) target_semaphore(%run_scoped3A : memref<!tpu.dma_semaphore, #tpu.memory_space<semaphore_mem>>)
          %dma_wait3A_167 = arith.constant 0 : i32
          %dma_wait3A_168 = tpu.memref_slice %arg4[%add3A, %mul3A_160, %dma_wait3A_167] : memref<32x80x125xi32, #tpu.memory_space<hbm>> -> memref<1x16x125xi32, #tpu.memory_space<hbm>>
          %dma_wait3A_169 = tpu.memref_squeeze %dma_wait3A_168 : memref<1x16x125xi32, #tpu.memory_space<hbm>> -> memref<16x125xi32, #tpu.memory_space<hbm>>
          %dma_wait3A_170 = arith.constant 0 : i32
          %dma_wait3A_171 = tpu.memref_slice %arg4[%add3A, %mul3A_160, %dma_wait3A_170] : memref<32x80x125xi32, #tpu.memory_space<hbm>> -> memref<1x16x125xi32, #tpu.memory_space<hbm>>
          %dma_wait3A_172 = tpu.memref_squeeze %dma_wait3A_171 : memref<1x16x125xi32, #tpu.memory_space<hbm>> -> memref<16x125xi32, #tpu.memory_space<hbm>>
          tpu.wait_dma2 semaphore(%run_scoped3A : memref<!tpu.dma_semaphore, #tpu.memory_space<semaphore_mem>>) src(%dma_wait3A_172 : memref<16x125xi32, #tpu.memory_space<hbm>>) dst(%arg9 : memref<16x125xi32, #tpu.memory_space<vmem>>)
          tpu.yield
        }) : () -> ()
      } else {
      }
      %add3A_74 = arith.constant 1 : i32
      %add3A_75 = arith.addi %mul3A_40, %add3A_74 : i32
      %jit3A_76 = arith.constant 16 : i32
      %div3A_77 = arith.divsi %add3A_75, %jit3A_76 : i32
      %sign3A_78 = arith.constant 0 : i32
      %sign3A_79 = arith.cmpi sgt, %add3A_75, %sign3A_78 : i32
      %sign3A_80 = arith.extui %sign3A_79 : i1 to i32
      %sign3A_81 = arith.constant 0 : i32
      %sign3A_82 = arith.cmpi slt, %add3A_75, %sign3A_81 : i32
      %sign3A_83 = arith.extui %sign3A_82 : i1 to i32
      %sign3A_84 = arith.subi %sign3A_80, %sign3A_83 : i32
      %sign3A_85 = arith.constant 0 : i32
      %sign3A_86 = arith.cmpi sgt, %jit3A_76, %sign3A_85 : i32
      %sign3A_87 = arith.extui %sign3A_86 : i1 to i32
      %sign3A_88 = arith.constant 0 : i32
      %sign3A_89 = arith.cmpi slt, %jit3A_76, %sign3A_88 : i32
      %sign3A_90 = arith.extui %sign3A_89 : i1 to i32
      %sign3A_91 = arith.subi %sign3A_87, %sign3A_90 : i32
      %ne3A_92 = arith.cmpi ne, %sign3A_84, %sign3A_91 : i32
      %rem3A_93 = arith.remsi %add3A_75, %jit3A_76 : i32
      %ne3A_94 = arith.constant 0 : i32
      %ne3A_95 = arith.cmpi ne, %rem3A_93, %ne3A_94 : i32
      %and3A_96 = arith.andi %ne3A_92, %ne3A_95 : i1
      %sub3A_97 = arith.constant 1 : i32
      %sub3A_98 = arith.subi %div3A_77, %sub3A_97 : i32
      %select_n3A_99 = arith.select %and3A_96, %sub3A_98, %div3A_77 : i32
      %jit3A_100 = arith.constant 2 : i32
      %eq3A_101 = arith.constant 0 : i32
      %eq3A_102 = arith.cmpi eq, %jit3A_100, %eq3A_101 : i32
      %jit3A_103 = arith.constant 1 : i32
      %select_n3A_104 = arith.select %eq3A_102, %jit3A_103, %jit3A_100 : i32
      %rem3A_105 = arith.remsi %select_n3A_99, %select_n3A_104 : i32
      %ne3A_106 = arith.constant 0 : i32
      %ne3A_107 = arith.cmpi ne, %rem3A_105, %ne3A_106 : i32
      %lt3A_108 = arith.constant 0 : i32
      %lt3A_109 = arith.cmpi slt, %rem3A_105, %lt3A_108 : i32
      %lt3A_110 = arith.constant 0 : i32
      %lt3A_111 = arith.cmpi slt, %select_n3A_104, %lt3A_110 : i32
      %ne3A_112 = arith.xori %lt3A_109, %lt3A_111 : i1
      %and3A_113 = arith.andi %ne3A_112, %ne3A_107 : i1
      %add3A_114 = arith.addi %rem3A_105, %select_n3A_104 : i32
      %select_n3A_115 = arith.select %and3A_113, %add3A_114, %rem3A_105 : i32
      %eq3A_116 = arith.constant 0 : i32
      %eq3A_117 = arith.cmpi eq, %select_n3A_115, %eq3A_116 : i32
      %convert_element_type3A_118 = arith.extui %eq3A_117 : i1 to i32
      %cond3A_119 = arith.constant 0 : i32
      %cond3A_120 = arith.cmpi ne, %convert_element_type3A_118, %cond3A_119 : i32
      scf.if %cond3A_120 {
        %jit3A_159 = arith.constant 16 : i32
        %eq3A_160 = arith.constant 0 : i32
        %eq3A_161 = arith.cmpi eq, %jit3A_159, %eq3A_160 : i32
        %jit3A_162 = arith.constant 1 : i32
        %select_n3A_163 = arith.select %eq3A_161, %jit3A_162, %jit3A_159 : i32
        %rem3A_164 = arith.remsi %add3A_75, %select_n3A_163 : i32
        %ne3A_165 = arith.constant 0 : i32
        %ne3A_166 = arith.cmpi ne, %rem3A_164, %ne3A_165 : i32
        %lt3A_167 = arith.constant 0 : i32
        %lt3A_168 = arith.cmpi slt, %rem3A_164, %lt3A_167 : i32
        %lt3A_169 = arith.constant 0 : i32
        %lt3A_170 = arith.cmpi slt, %select_n3A_163, %lt3A_169 : i32
        %ne3A_171 = arith.xori %lt3A_168, %lt3A_170 : i1
        %and3A_172 = arith.andi %ne3A_171, %ne3A_166 : i1
        %add3A_173 = arith.addi %rem3A_164, %select_n3A_163 : i32
        %select_n3A_174 = arith.select %and3A_172, %add3A_173, %rem3A_164 : i32
        %dma_start3A_175 = arith.constant 0 : i32
        %dma_start3A_176 = tpu.memref_slice %arg7[%select_n3A_174, %dma_start3A_175] : memref<16x125xi32, #tpu.memory_space<vmem>> -> memref<1x125xi32, #tpu.memory_space<vmem>>
        %dma_start3A_177 = tpu.memref_squeeze %dma_start3A_176 : memref<1x125xi32, #tpu.memory_space<vmem>> -> memref<125xi32, #tpu.memory_space<vmem>>
        %dma_start3A_178 = arith.constant 0 : i32
        %dma_start3A_179 = arith.constant 0 : i32
        %dma_start3A_180 = tpu.memref_slice %arg2[%dma_start3A_178, %dma_start3A_179] : memref<10000x128xf32, #tpu.memory_space<hbm>> -> memref<10000x128xf32, #tpu.memory_space<hbm>>
        tpu.enqueue_indirect_dma source(%dma_start3A_180 : memref<10000x128xf32, #tpu.memory_space<hbm>>) target(%arg11 : memref<125x128xf32, #tpu.memory_space<vmem>>) offsets(%dma_start3A_177 : memref<125xi32, #tpu.memory_space<vmem>>) semaphore(%arg14 : memref<!tpu.dma_semaphore, #tpu.memory_space<semaphore_mem>>)
      } else {
      }
      %eq3A_121 = arith.constant 1 : i32
      %eq3A_122 = arith.cmpi eq, %select_n3A_115, %eq3A_121 : i32
      %convert_element_type3A_123 = arith.extui %eq3A_122 : i1 to i32
      %cond3A_124 = arith.constant 0 : i32
      %cond3A_125 = arith.cmpi ne, %convert_element_type3A_123, %cond3A_124 : i32
      scf.if %cond3A_125 {
        %jit3A_159 = arith.constant 16 : i32
        %eq3A_160 = arith.constant 0 : i32
        %eq3A_161 = arith.cmpi eq, %jit3A_159, %eq3A_160 : i32
        %jit3A_162 = arith.constant 1 : i32
        %select_n3A_163 = arith.select %eq3A_161, %jit3A_162, %jit3A_159 : i32
        %rem3A_164 = arith.remsi %add3A_75, %select_n3A_163 : i32
        %ne3A_165 = arith.constant 0 : i32
        %ne3A_166 = arith.cmpi ne, %rem3A_164, %ne3A_165 : i32
        %lt3A_167 = arith.constant 0 : i32
        %lt3A_168 = arith.cmpi slt, %rem3A_164, %lt3A_167 : i32
        %lt3A_169 = arith.constant 0 : i32
        %lt3A_170 = arith.cmpi slt, %select_n3A_163, %lt3A_169 : i32
        %ne3A_171 = arith.xori %lt3A_168, %lt3A_170 : i1
        %and3A_172 = arith.andi %ne3A_171, %ne3A_166 : i1
        %add3A_173 = arith.addi %rem3A_164, %select_n3A_163 : i32
        %select_n3A_174 = arith.select %and3A_172, %add3A_173, %rem3A_164 : i32
        %dma_start3A_175 = arith.constant 0 : i32
        %dma_start3A_176 = tpu.memref_slice %arg8[%select_n3A_174, %dma_start3A_175] : memref<16x125xi32, #tpu.memory_space<vmem>> -> memref<1x125xi32, #tpu.memory_space<vmem>>
        %dma_start3A_177 = tpu.memref_squeeze %dma_start3A_176 : memref<1x125xi32, #tpu.memory_space<vmem>> -> memref<125xi32, #tpu.memory_space<vmem>>
        %dma_start3A_178 = arith.constant 0 : i32
        %dma_start3A_179 = arith.constant 0 : i32
        %dma_start3A_180 = tpu.memref_slice %arg2[%dma_start3A_178, %dma_start3A_179] : memref<10000x128xf32, #tpu.memory_space<hbm>> -> memref<10000x128xf32, #tpu.memory_space<hbm>>
        tpu.enqueue_indirect_dma source(%dma_start3A_180 : memref<10000x128xf32, #tpu.memory_space<hbm>>) target(%arg11 : memref<125x128xf32, #tpu.memory_space<vmem>>) offsets(%dma_start3A_177 : memref<125xi32, #tpu.memory_space<vmem>>) semaphore(%arg14 : memref<!tpu.dma_semaphore, #tpu.memory_space<semaphore_mem>>)
      } else {
      }
      %dma_wait3A_126 = arith.constant 0 : i32
      %dma_wait3A_127 = arith.constant 0 : i32
      %dma_wait3A_128 = tpu.memref_slice %arg7[%dma_wait3A_126, %dma_wait3A_127] : memref<16x125xi32, #tpu.memory_space<vmem>> -> memref<1x125xi32, #tpu.memory_space<vmem>>
      %dma_wait3A_129 = tpu.memref_squeeze %dma_wait3A_128 : memref<1x125xi32, #tpu.memory_space<vmem>> -> memref<125xi32, #tpu.memory_space<vmem>>
      %dma_wait3A_130 = arith.constant 0 : i32
      %dma_wait3A_131 = arith.constant 0 : i32
      %dma_wait3A_132 = tpu.memref_slice %arg2[%dma_wait3A_130, %dma_wait3A_131] : memref<10000x128xf32, #tpu.memory_space<hbm>> -> memref<10000x128xf32, #tpu.memory_space<hbm>>
      tpu.wait_indirect_dma semaphore(%arg13 : memref<!tpu.dma_semaphore, #tpu.memory_space<semaphore_mem>>) src(%dma_wait3A_132 : memref<10000x128xf32, #tpu.memory_space<hbm>>) dst(%arg10 : memref<125x128xf32, #tpu.memory_space<vmem>>)
      "tpu.region"() ({
        %run_scoped3A = tpu.sem_alloc : memref<!tpu.dma_semaphore, #tpu.memory_space<semaphore_mem>>
        %dma_start3A_159 = arith.constant 0 : i32
        %dma_start3A_160 = tpu.memref_slice %arg9[%select_n3A_70, %dma_start3A_159] : memref<16x125xi32, #tpu.memory_space<vmem>> -> memref<1x125xi32, #tpu.memory_space<vmem>>
        %dma_start3A_161 = tpu.memref_squeeze %dma_start3A_160 : memref<1x125xi32, #tpu.memory_space<vmem>> -> memref<125xi32, #tpu.memory_space<vmem>>
        %dma_start3A_162 = arith.constant 0 : i32
        %dma_start3A_163 = arith.constant 0 : i32
        %dma_start3A_164 = tpu.memref_slice %arg12[%dma_start3A_162, %dma_start3A_163] : memref<10000x128xf32, #tpu.memory_space<vmem_shared>> -> memref<10000x128xf32, #tpu.memory_space<vmem_shared>>
        tpu.enqueue_indirect_dma source(%arg10 : memref<125x128xf32, #tpu.memory_space<vmem>>) target(%dma_start3A_164 : memref<10000x128xf32, #tpu.memory_space<vmem_shared>>) offsets(%dma_start3A_161 : memref<125xi32, #tpu.memory_space<vmem>>) semaphore(%run_scoped3A : memref<!tpu.dma_semaphore, #tpu.memory_space<semaphore_mem>>) {add = true}
        %dma_wait3A_165 = arith.constant 0 : i32
        %dma_wait3A_166 = tpu.memref_slice %arg9[%select_n3A_70, %dma_wait3A_165] : memref<16x125xi32, #tpu.memory_space<vmem>> -> memref<1x125xi32, #tpu.memory_space<vmem>>
        %dma_wait3A_167 = tpu.memref_squeeze %dma_wait3A_166 : memref<1x125xi32, #tpu.memory_space<vmem>> -> memref<125xi32, #tpu.memory_space<vmem>>
        %dma_wait3A_168 = arith.constant 0 : i32
        %dma_wait3A_169 = arith.constant 0 : i32
        %dma_wait3A_170 = tpu.memref_slice %arg12[%dma_wait3A_168, %dma_wait3A_169] : memref<10000x128xf32, #tpu.memory_space<vmem_shared>> -> memref<10000x128xf32, #tpu.memory_space<vmem_shared>>
        tpu.wait_indirect_dma semaphore(%run_scoped3A : memref<!tpu.dma_semaphore, #tpu.memory_space<semaphore_mem>>) src(%arg10 : memref<125x128xf32, #tpu.memory_space<vmem>>) dst(%dma_wait3A_170 : memref<10000x128xf32, #tpu.memory_space<vmem_shared>>)
        tpu.yield
      }) : () -> ()
      %eq3A_133 = arith.constant 4 : i32
      %eq3A_134 = arith.cmpi eq, %select_n3A_70, %eq3A_133 : i32
      %add3A_135 = arith.constant 1 : i32
      %add3A_136 = arith.addi %select_n3A, %add3A_135 : i32
      %lt3A_137 = arith.constant 5 : i32
      %lt3A_138 = arith.cmpi slt, %add3A_136, %lt3A_137 : i32
      %and3A_139 = arith.andi %eq3A_134, %lt3A_138 : i1
      %convert_element_type3A_140 = arith.extui %and3A_139 : i1 to i32
      %cond3A_141 = arith.constant 0 : i32
      %cond3A_142 = arith.cmpi ne, %convert_element_type3A_140, %cond3A_141 : i32
      scf.if %cond3A_142 {
        %add3A_159 = arith.constant 1 : i32
        %add3A_160 = arith.addi %select_n3A, %add3A_159 : i32
        %jit3A_161 = arith.constant 2 : i32
        %eq3A_162 = arith.constant 0 : i32
        %eq3A_163 = arith.cmpi eq, %jit3A_161, %eq3A_162 : i32
        %jit3A_164 = arith.constant 1 : i32
        %select_n3A_165 = arith.select %eq3A_163, %jit3A_164, %jit3A_161 : i32
        %rem3A_166 = arith.remsi %add3A_160, %select_n3A_165 : i32
        %ne3A_167 = arith.constant 0 : i32
        %ne3A_168 = arith.cmpi ne, %rem3A_166, %ne3A_167 : i32
        %lt3A_169 = arith.constant 0 : i32
        %lt3A_170 = arith.cmpi slt, %rem3A_166, %lt3A_169 : i32
        %lt3A_171 = arith.constant 0 : i32
        %lt3A_172 = arith.cmpi slt, %select_n3A_165, %lt3A_171 : i32
        %ne3A_173 = arith.xori %lt3A_170, %lt3A_172 : i1
        %and3A_174 = arith.andi %ne3A_173, %ne3A_168 : i1
        %add3A_175 = arith.addi %rem3A_166, %select_n3A_165 : i32
        %select_n3A_176 = arith.select %and3A_174, %add3A_175, %rem3A_166 : i32
        %eq3A_177 = arith.constant 0 : i32
        %eq3A_178 = arith.cmpi eq, %select_n3A_176, %eq3A_177 : i32
        %convert_element_type3A_179 = arith.extui %eq3A_178 : i1 to i32
        %cond3A_180 = arith.constant 0 : i32
        %cond3A_181 = arith.cmpi ne, %convert_element_type3A_179, %cond3A_180 : i32
        scf.if %cond3A_181 {
          %add3A_187 = arith.constant 1 : i32
          %add3A_188 = arith.addi %select_n3A, %add3A_187 : i32
          %mul3A_189 = arith.constant 16 : i32
          %mul3A_190 = arith.muli %add3A_188, %mul3A_189 : i32
          "tpu.region"() ({
            %run_scoped3A = tpu.sem_alloc : memref<!tpu.dma_semaphore, #tpu.memory_space<semaphore_mem>>
            %dma_start3A_191 = arith.constant 0 : i32
            %dma_start3A_192 = tpu.memref_slice %arg3[%add3A, %mul3A_190, %dma_start3A_191] : memref<32x80x125xi32, #tpu.memory_space<hbm>> -> memref<1x16x125xi32, #tpu.memory_space<hbm>>
            %dma_start3A_193 = tpu.memref_squeeze %dma_start3A_192 : memref<1x16x125xi32, #tpu.memory_space<hbm>> -> memref<16x125xi32, #tpu.memory_space<hbm>>
            %dma_start3A_194 = arith.constant 0 : i32
            %dma_start3A_195 = tpu.memref_slice %arg3[%add3A, %mul3A_190, %dma_start3A_194] : memref<32x80x125xi32, #tpu.memory_space<hbm>> -> memref<1x16x125xi32, #tpu.memory_space<hbm>>
            %dma_start3A_196 = tpu.memref_squeeze %dma_start3A_195 : memref<1x16x125xi32, #tpu.memory_space<hbm>> -> memref<16x125xi32, #tpu.memory_space<hbm>>
            tpu.enqueue_dma source(%dma_start3A_196 : memref<16x125xi32, #tpu.memory_space<hbm>>) target(%arg7 : memref<16x125xi32, #tpu.memory_space<vmem>>) target_semaphore(%run_scoped3A : memref<!tpu.dma_semaphore, #tpu.memory_space<semaphore_mem>>)
            %dma_wait3A_197 = arith.constant 0 : i32
            %dma_wait3A_198 = tpu.memref_slice %arg3[%add3A, %mul3A_190, %dma_wait3A_197] : memref<32x80x125xi32, #tpu.memory_space<hbm>> -> memref<1x16x125xi32, #tpu.memory_space<hbm>>
            %dma_wait3A_199 = tpu.memref_squeeze %dma_wait3A_198 : memref<1x16x125xi32, #tpu.memory_space<hbm>> -> memref<16x125xi32, #tpu.memory_space<hbm>>
            %dma_wait3A_200 = arith.constant 0 : i32
            %dma_wait3A_201 = tpu.memref_slice %arg3[%add3A, %mul3A_190, %dma_wait3A_200] : memref<32x80x125xi32, #tpu.memory_space<hbm>> -> memref<1x16x125xi32, #tpu.memory_space<hbm>>
            %dma_wait3A_202 = tpu.memref_squeeze %dma_wait3A_201 : memref<1x16x125xi32, #tpu.memory_space<hbm>> -> memref<16x125xi32, #tpu.memory_space<hbm>>
            tpu.wait_dma2 semaphore(%run_scoped3A : memref<!tpu.dma_semaphore, #tpu.memory_space<semaphore_mem>>) src(%dma_wait3A_202 : memref<16x125xi32, #tpu.memory_space<hbm>>) dst(%arg7 : memref<16x125xi32, #tpu.memory_space<vmem>>)
            tpu.yield
          }) : () -> ()
        } else {
        }
        %eq3A_182 = arith.constant 1 : i32
        %eq3A_183 = arith.cmpi eq, %select_n3A_176, %eq3A_182 : i32
        %convert_element_type3A_184 = arith.extui %eq3A_183 : i1 to i32
        %cond3A_185 = arith.constant 0 : i32
        %cond3A_186 = arith.cmpi ne, %convert_element_type3A_184, %cond3A_185 : i32
        scf.if %cond3A_186 {
          %add3A_187 = arith.constant 1 : i32
          %add3A_188 = arith.addi %select_n3A, %add3A_187 : i32
          %mul3A_189 = arith.constant 16 : i32
          %mul3A_190 = arith.muli %add3A_188, %mul3A_189 : i32
          "tpu.region"() ({
            %run_scoped3A = tpu.sem_alloc : memref<!tpu.dma_semaphore, #tpu.memory_space<semaphore_mem>>
            %dma_start3A_191 = arith.constant 0 : i32
            %dma_start3A_192 = tpu.memref_slice %arg3[%add3A, %mul3A_190, %dma_start3A_191] : memref<32x80x125xi32, #tpu.memory_space<hbm>> -> memref<1x16x125xi32, #tpu.memory_space<hbm>>
            %dma_start3A_193 = tpu.memref_squeeze %dma_start3A_192 : memref<1x16x125xi32, #tpu.memory_space<hbm>> -> memref<16x125xi32, #tpu.memory_space<hbm>>
            %dma_start3A_194 = arith.constant 0 : i32
            %dma_start3A_195 = tpu.memref_slice %arg3[%add3A, %mul3A_190, %dma_start3A_194] : memref<32x80x125xi32, #tpu.memory_space<hbm>> -> memref<1x16x125xi32, #tpu.memory_space<hbm>>
            %dma_start3A_196 = tpu.memref_squeeze %dma_start3A_195 : memref<1x16x125xi32, #tpu.memory_space<hbm>> -> memref<16x125xi32, #tpu.memory_space<hbm>>
            tpu.enqueue_dma source(%dma_start3A_196 : memref<16x125xi32, #tpu.memory_space<hbm>>) target(%arg8 : memref<16x125xi32, #tpu.memory_space<vmem>>) target_semaphore(%run_scoped3A : memref<!tpu.dma_semaphore, #tpu.memory_space<semaphore_mem>>)
            %dma_wait3A_197 = arith.constant 0 : i32
            %dma_wait3A_198 = tpu.memref_slice %arg3[%add3A, %mul3A_190, %dma_wait3A_197] : memref<32x80x125xi32, #tpu.memory_space<hbm>> -> memref<1x16x125xi32, #tpu.memory_space<hbm>>
            %dma_wait3A_199 = tpu.memref_squeeze %dma_wait3A_198 : memref<1x16x125xi32, #tpu.memory_space<hbm>> -> memref<16x125xi32, #tpu.memory_space<hbm>>
            %dma_wait3A_200 = arith.constant 0 : i32
            %dma_wait3A_201 = tpu.memref_slice %arg3[%add3A, %mul3A_190, %dma_wait3A_200] : memref<32x80x125xi32, #tpu.memory_space<hbm>> -> memref<1x16x125xi32, #tpu.memory_space<hbm>>
            %dma_wait3A_202 = tpu.memref_squeeze %dma_wait3A_201 : memref<1x16x125xi32, #tpu.memory_space<hbm>> -> memref<16x125xi32, #tpu.memory_space<hbm>>
            tpu.wait_dma2 semaphore(%run_scoped3A : memref<!tpu.dma_semaphore, #tpu.memory_space<semaphore_mem>>) src(%dma_wait3A_202 : memref<16x125xi32, #tpu.memory_space<hbm>>) dst(%arg8 : memref<16x125xi32, #tpu.memory_space<vmem>>)
            tpu.yield
          }) : () -> ()
        } else {
        }
      } else {
      }
      %add3A_143 = arith.constant 1 : i32
      %add3A_144 = arith.addi %scan3A_38, %add3A_143 : i32
      %lt3A_145 = arith.constant 40 : i32
      %lt3A_146 = arith.cmpi slt, %add3A_144, %lt3A_145 : i32
      %convert_element_type3A_147 = arith.extui %lt3A_146 : i1 to i32
      %cond3A_148 = arith.constant 0 : i32
      %cond3A_149 = arith.cmpi ne, %convert_element_type3A_147, %cond3A_148 : i32
      scf.if %cond3A_149 {
        %add3A_159 = arith.constant 2 : i32
        %add3A_160 = arith.addi %mul3A_40, %add3A_159 : i32
        %jit3A_161 = arith.constant 16 : i32
        %div3A_162 = arith.divsi %add3A_160, %jit3A_161 : i32
        %sign3A_163 = arith.constant 0 : i32
        %sign3A_164 = arith.cmpi sgt, %add3A_160, %sign3A_163 : i32
        %sign3A_165 = arith.extui %sign3A_164 : i1 to i32
        %sign3A_166 = arith.constant 0 : i32
        %sign3A_167 = arith.cmpi slt, %add3A_160, %sign3A_166 : i32
        %sign3A_168 = arith.extui %sign3A_167 : i1 to i32
        %sign3A_169 = arith.subi %sign3A_165, %sign3A_168 : i32
        %sign3A_170 = arith.constant 0 : i32
        %sign3A_171 = arith.cmpi sgt, %jit3A_161, %sign3A_170 : i32
        %sign3A_172 = arith.extui %sign3A_171 : i1 to i32
        %sign3A_173 = arith.constant 0 : i32
        %sign3A_174 = arith.cmpi slt, %jit3A_161, %sign3A_173 : i32
        %sign3A_175 = arith.extui %sign3A_174 : i1 to i32
        %sign3A_176 = arith.subi %sign3A_172, %sign3A_175 : i32
        %ne3A_177 = arith.cmpi ne, %sign3A_169, %sign3A_176 : i32
        %rem3A_178 = arith.remsi %add3A_160, %jit3A_161 : i32
        %ne3A_179 = arith.constant 0 : i32
        %ne3A_180 = arith.cmpi ne, %rem3A_178, %ne3A_179 : i32
        %and3A_181 = arith.andi %ne3A_177, %ne3A_180 : i1
        %sub3A_182 = arith.constant 1 : i32
        %sub3A_183 = arith.subi %div3A_162, %sub3A_182 : i32
        %select_n3A_184 = arith.select %and3A_181, %sub3A_183, %div3A_162 : i32
        %jit3A_185 = arith.constant 2 : i32
        %eq3A_186 = arith.constant 0 : i32
        %eq3A_187 = arith.cmpi eq, %jit3A_185, %eq3A_186 : i32
        %jit3A_188 = arith.constant 1 : i32
        %select_n3A_189 = arith.select %eq3A_187, %jit3A_188, %jit3A_185 : i32
        %rem3A_190 = arith.remsi %select_n3A_184, %select_n3A_189 : i32
        %ne3A_191 = arith.constant 0 : i32
        %ne3A_192 = arith.cmpi ne, %rem3A_190, %ne3A_191 : i32
        %lt3A_193 = arith.constant 0 : i32
        %lt3A_194 = arith.cmpi slt, %rem3A_190, %lt3A_193 : i32
        %lt3A_195 = arith.constant 0 : i32
        %lt3A_196 = arith.cmpi slt, %select_n3A_189, %lt3A_195 : i32
        %ne3A_197 = arith.xori %lt3A_194, %lt3A_196 : i1
        %and3A_198 = arith.andi %ne3A_197, %ne3A_192 : i1
        %add3A_199 = arith.addi %rem3A_190, %select_n3A_189 : i32
        %select_n3A_200 = arith.select %and3A_198, %add3A_199, %rem3A_190 : i32
        %eq3A_201 = arith.constant 0 : i32
        %eq3A_202 = arith.cmpi eq, %select_n3A_200, %eq3A_201 : i32
        %convert_element_type3A_203 = arith.extui %eq3A_202 : i1 to i32
        %cond3A_204 = arith.constant 0 : i32
        %cond3A_205 = arith.cmpi ne, %convert_element_type3A_203, %cond3A_204 : i32
        scf.if %cond3A_205 {
          %jit3A_211 = arith.constant 16 : i32
          %eq3A_212 = arith.constant 0 : i32
          %eq3A_213 = arith.cmpi eq, %jit3A_211, %eq3A_212 : i32
          %jit3A_214 = arith.constant 1 : i32
          %select_n3A_215 = arith.select %eq3A_213, %jit3A_214, %jit3A_211 : i32
          %rem3A_216 = arith.remsi %add3A_160, %select_n3A_215 : i32
          %ne3A_217 = arith.constant 0 : i32
          %ne3A_218 = arith.cmpi ne, %rem3A_216, %ne3A_217 : i32
          %lt3A_219 = arith.constant 0 : i32
          %lt3A_220 = arith.cmpi slt, %rem3A_216, %lt3A_219 : i32
          %lt3A_221 = arith.constant 0 : i32
          %lt3A_222 = arith.cmpi slt, %select_n3A_215, %lt3A_221 : i32
          %ne3A_223 = arith.xori %lt3A_220, %lt3A_222 : i1
          %and3A_224 = arith.andi %ne3A_223, %ne3A_218 : i1
          %add3A_225 = arith.addi %rem3A_216, %select_n3A_215 : i32
          %select_n3A_226 = arith.select %and3A_224, %add3A_225, %rem3A_216 : i32
          %dma_start3A_227 = arith.constant 0 : i32
          %dma_start3A_228 = tpu.memref_slice %arg7[%select_n3A_226, %dma_start3A_227] : memref<16x125xi32, #tpu.memory_space<vmem>> -> memref<1x125xi32, #tpu.memory_space<vmem>>
          %dma_start3A_229 = tpu.memref_squeeze %dma_start3A_228 : memref<1x125xi32, #tpu.memory_space<vmem>> -> memref<125xi32, #tpu.memory_space<vmem>>
          %dma_start3A_230 = arith.constant 0 : i32
          %dma_start3A_231 = arith.constant 0 : i32
          %dma_start3A_232 = tpu.memref_slice %arg2[%dma_start3A_230, %dma_start3A_231] : memref<10000x128xf32, #tpu.memory_space<hbm>> -> memref<10000x128xf32, #tpu.memory_space<hbm>>
          tpu.enqueue_indirect_dma source(%dma_start3A_232 : memref<10000x128xf32, #tpu.memory_space<hbm>>) target(%arg10 : memref<125x128xf32, #tpu.memory_space<vmem>>) offsets(%dma_start3A_229 : memref<125xi32, #tpu.memory_space<vmem>>) semaphore(%arg13 : memref<!tpu.dma_semaphore, #tpu.memory_space<semaphore_mem>>)
        } else {
        }
        %eq3A_206 = arith.constant 1 : i32
        %eq3A_207 = arith.cmpi eq, %select_n3A_200, %eq3A_206 : i32
        %convert_element_type3A_208 = arith.extui %eq3A_207 : i1 to i32
        %cond3A_209 = arith.constant 0 : i32
        %cond3A_210 = arith.cmpi ne, %convert_element_type3A_208, %cond3A_209 : i32
        scf.if %cond3A_210 {
          %jit3A_211 = arith.constant 16 : i32
          %eq3A_212 = arith.constant 0 : i32
          %eq3A_213 = arith.cmpi eq, %jit3A_211, %eq3A_212 : i32
          %jit3A_214 = arith.constant 1 : i32
          %select_n3A_215 = arith.select %eq3A_213, %jit3A_214, %jit3A_211 : i32
          %rem3A_216 = arith.remsi %add3A_160, %select_n3A_215 : i32
          %ne3A_217 = arith.constant 0 : i32
          %ne3A_218 = arith.cmpi ne, %rem3A_216, %ne3A_217 : i32
          %lt3A_219 = arith.constant 0 : i32
          %lt3A_220 = arith.cmpi slt, %rem3A_216, %lt3A_219 : i32
          %lt3A_221 = arith.constant 0 : i32
          %lt3A_222 = arith.cmpi slt, %select_n3A_215, %lt3A_221 : i32
          %ne3A_223 = arith.xori %lt3A_220, %lt3A_222 : i1
          %and3A_224 = arith.andi %ne3A_223, %ne3A_218 : i1
          %add3A_225 = arith.addi %rem3A_216, %select_n3A_215 : i32
          %select_n3A_226 = arith.select %and3A_224, %add3A_225, %rem3A_216 : i32
          %dma_start3A_227 = arith.constant 0 : i32
          %dma_start3A_228 = tpu.memref_slice %arg8[%select_n3A_226, %dma_start3A_227] : memref<16x125xi32, #tpu.memory_space<vmem>> -> memref<1x125xi32, #tpu.memory_space<vmem>>
          %dma_start3A_229 = tpu.memref_squeeze %dma_start3A_228 : memref<1x125xi32, #tpu.memory_space<vmem>> -> memref<125xi32, #tpu.memory_space<vmem>>
          %dma_start3A_230 = arith.constant 0 : i32
          %dma_start3A_231 = arith.constant 0 : i32
          %dma_start3A_232 = tpu.memref_slice %arg2[%dma_start3A_230, %dma_start3A_231] : memref<10000x128xf32, #tpu.memory_space<hbm>> -> memref<10000x128xf32, #tpu.memory_space<hbm>>
          tpu.enqueue_indirect_dma source(%dma_start3A_232 : memref<10000x128xf32, #tpu.memory_space<hbm>>) target(%arg10 : memref<125x128xf32, #tpu.memory_space<vmem>>) offsets(%dma_start3A_229 : memref<125xi32, #tpu.memory_space<vmem>>) semaphore(%arg13 : memref<!tpu.dma_semaphore, #tpu.memory_space<semaphore_mem>>)
        } else {
        }
      } else {
      }
      %add3A_150 = arith.constant 1 : i32
      %add3A_151 = arith.addi %select_n3A_70, %add3A_150 : i32
      %dma_wait3A_152 = arith.constant 0 : i32
      %dma_wait3A_153 = arith.constant 0 : i32
      %dma_wait3A_154 = tpu.memref_slice %arg7[%dma_wait3A_152, %dma_wait3A_153] : memref<16x125xi32, #tpu.memory_space<vmem>> -> memref<1x125xi32, #tpu.memory_space<vmem>>
      %dma_wait3A_155 = tpu.memref_squeeze %dma_wait3A_154 : memref<1x125xi32, #tpu.memory_space<vmem>> -> memref<125xi32, #tpu.memory_space<vmem>>
      %dma_wait3A_156 = arith.constant 0 : i32
      %dma_wait3A_157 = arith.constant 0 : i32
      %dma_wait3A_158 = tpu.memref_slice %arg2[%dma_wait3A_156, %dma_wait3A_157] : memref<10000x128xf32, #tpu.memory_space<hbm>> -> memref<10000x128xf32, #tpu.memory_space<hbm>>
      tpu.wait_indirect_dma semaphore(%arg14 : memref<!tpu.dma_semaphore, #tpu.memory_space<semaphore_mem>>) src(%dma_wait3A_158 : memref<10000x128xf32, #tpu.memory_space<hbm>>) dst(%arg11 : memref<125x128xf32, #tpu.memory_space<vmem>>)
      "tpu.region"() ({
        %run_scoped3A = tpu.sem_alloc : memref<!tpu.dma_semaphore, #tpu.memory_space<semaphore_mem>>
        %dma_start3A_159 = arith.constant 0 : i32
        %dma_start3A_160 = tpu.memref_slice %arg9[%add3A_151, %dma_start3A_159] : memref<16x125xi32, #tpu.memory_space<vmem>> -> memref<1x125xi32, #tpu.memory_space<vmem>>
        %dma_start3A_161 = tpu.memref_squeeze %dma_start3A_160 : memref<1x125xi32, #tpu.memory_space<vmem>> -> memref<125xi32, #tpu.memory_space<vmem>>
        %dma_start3A_162 = arith.constant 0 : i32
        %dma_start3A_163 = arith.constant 0 : i32
        %dma_start3A_164 = tpu.memref_slice %arg12[%dma_start3A_162, %dma_start3A_163] : memref<10000x128xf32, #tpu.memory_space<vmem_shared>> -> memref<10000x128xf32, #tpu.memory_space<vmem_shared>>
        tpu.enqueue_indirect_dma source(%arg11 : memref<125x128xf32, #tpu.memory_space<vmem>>) target(%dma_start3A_164 : memref<10000x128xf32, #tpu.memory_space<vmem_shared>>) offsets(%dma_start3A_161 : memref<125xi32, #tpu.memory_space<vmem>>) semaphore(%run_scoped3A : memref<!tpu.dma_semaphore, #tpu.memory_space<semaphore_mem>>) {add = true}
        %dma_wait3A_165 = arith.constant 0 : i32
        %dma_wait3A_166 = tpu.memref_slice %arg9[%add3A_151, %dma_wait3A_165] : memref<16x125xi32, #tpu.memory_space<vmem>> -> memref<1x125xi32, #tpu.memory_space<vmem>>
        %dma_wait3A_167 = tpu.memref_squeeze %dma_wait3A_166 : memref<1x125xi32, #tpu.memory_space<vmem>> -> memref<125xi32, #tpu.memory_space<vmem>>
        %dma_wait3A_168 = arith.constant 0 : i32
        %dma_wait3A_169 = arith.constant 0 : i32
        %dma_wait3A_170 = tpu.memref_slice %arg12[%dma_wait3A_168, %dma_wait3A_169] : memref<10000x128xf32, #tpu.memory_space<vmem_shared>> -> memref<10000x128xf32, #tpu.memory_space<vmem_shared>>
        tpu.wait_indirect_dma semaphore(%run_scoped3A : memref<!tpu.dma_semaphore, #tpu.memory_space<semaphore_mem>>) src(%arg11 : memref<125x128xf32, #tpu.memory_space<vmem>>) dst(%dma_wait3A_170 : memref<10000x128xf32, #tpu.memory_space<vmem_shared>>)
        tpu.yield
      }) : () -> ()
    }
    %scan3A_36 = arith.constant 40 : i32
    %barrier3A_37 = arith.constant 0 : index
    tpu.barrier barrier_id(%barrier3A_37)
    "tpu.region"() ({
      %run_scoped3A = tpu.sem_alloc : memref<!tpu.dma_semaphore, #tpu.memory_space<semaphore_mem>>
      %dma_start3A_38 = arith.constant 0 : i32
      %dma_start3A_39 = tpu.memref_slice %arg6[%arg0, %mul3A_2, %dma_start3A_38] : memref<2x10000x128xf32, #tpu.memory_space<hbm>> -> memref<1x625x128xf32, #tpu.memory_space<hbm>>
      %dma_start3A_40 = tpu.memref_squeeze %dma_start3A_39 : memref<1x625x128xf32, #tpu.memory_space<hbm>> -> memref<625x128xf32, #tpu.memory_space<hbm>>
      %dma_start3A_41 = arith.constant 0 : i32
      %dma_start3A_42 = tpu.memref_slice %arg12[%mul3A_2, %dma_start3A_41] : memref<10000x128xf32, #tpu.memory_space<vmem_shared>> -> memref<625x128xf32, #tpu.memory_space<vmem_shared>>
      tpu.enqueue_dma source(%dma_start3A_42 : memref<625x128xf32, #tpu.memory_space<vmem_shared>>) target(%dma_start3A_40 : memref<625x128xf32, #tpu.memory_space<hbm>>) target_semaphore(%run_scoped3A : memref<!tpu.dma_semaphore, #tpu.memory_space<semaphore_mem>>)
      %dma_wait3A_43 = arith.constant 0 : i32
      %dma_wait3A_44 = tpu.memref_slice %arg6[%arg0, %mul3A_2, %dma_wait3A_43] : memref<2x10000x128xf32, #tpu.memory_space<hbm>> -> memref<1x625x128xf32, #tpu.memory_space<hbm>>
      %dma_wait3A_45 = tpu.memref_squeeze %dma_wait3A_44 : memref<1x625x128xf32, #tpu.memory_space<hbm>> -> memref<625x128xf32, #tpu.memory_space<hbm>>
      %dma_wait3A_46 = arith.constant 0 : i32
      %dma_wait3A_47 = tpu.memref_slice %arg12[%mul3A_2, %dma_wait3A_46] : memref<10000x128xf32, #tpu.memory_space<vmem_shared>> -> memref<625x128xf32, #tpu.memory_space<vmem_shared>>
      tpu.wait_dma2 semaphore(%run_scoped3A : memref<!tpu.dma_semaphore, #tpu.memory_space<semaphore_mem>>) src(%dma_wait3A_47 : memref<625x128xf32, #tpu.memory_space<vmem_shared>>) dst(%dma_wait3A_45 : memref<625x128xf32, #tpu.memory_space<hbm>>)
      tpu.yield
    }) : () -> ()
    return
  }
}

#map = affine_map<(d0, d1) -> (0, 0)>
#map1 = affine_map<(d0, d1) -> (0, 0, 0)>
module attributes {stable_mosaic.version = 14 : i64} {
  func.func @body(%arg0: i32, %arg1: i32, %arg2: memref<10000x128xf32, #tpu.memory_space<hbm>>, %arg3: memref<32x80x125xi32, #tpu.memory_space<hbm>>, %arg4: memref<32x80x125xi32, #tpu.memory_space<hbm>>, %arg5: memref<10000x128xf32, #tpu.memory_space<hbm>>, %arg6: memref<10000x16xf32, #tpu.memory_space<hbm>>, %arg7: memref<125x16xf32, #tpu.memory_space<hbm>>, %arg8: memref<2x10000x128xf32, #tpu.memory_space<hbm>>, %arg9: memref<2x10000x16xf32, #tpu.memory_space<hbm>>, %arg10: memref<16x125xi32, #tpu.memory_space<vmem>>, %arg11: memref<16x125xi32, #tpu.memory_space<vmem>>, %arg12: memref<16x125xi32, #tpu.memory_space<vmem>>, %arg13: memref<125x128xf32, #tpu.memory_space<vmem>>, %arg14: memref<125x128xf32, #tpu.memory_space<vmem>>, %arg15: memref<10000x128xf32, #tpu.memory_space<vmem_shared>>, %arg16: memref<!tpu.dma_semaphore, #tpu.memory_space<semaphore_mem>>, %arg17: memref<!tpu.dma_semaphore, #tpu.memory_space<semaphore_mem>>, %arg18: memref<125x16xf32, #tpu.memory_space<vmem>>, %arg19: memref<10000x16xf32, #tpu.memory_space<vmem_shared>>) attributes {dimension_semantics = [#tpu.dimension_semantics<core_parallel>, #tpu.dimension_semantics<subcore_parallel>], iteration_bounds = array<i64: 2, 16>, scalar_prefetch = 0 : i64, scratch_operands = 10 : i64, tpu.core_type = #tpu.core_type<sc_vector_subcore>, window_params = [{transform_indices = #map}, {transform_indices = #map1}, {transform_indices = #map1}, {transform_indices = #map}, {transform_indices = #map}, {transform_indices = #map}, {transform_indices = #map1}, {transform_indices = #map1}]} {
    %mul3A = arith.constant 2 : i32
    %mul3A_0 = arith.muli %arg1, %mul3A : i32
    %add3A = arith.addi %mul3A_0, %arg0 : i32
    %mul3A_1 = arith.constant 625 : i32
    %mul3A_2 = arith.muli %arg1, %mul3A_1 : i32
    %dma_start3A = arith.constant 0 : i32
    %dma_start3A_3 = tpu.memref_slice %arg15[%mul3A_2, %dma_start3A] : memref<10000x128xf32, #tpu.memory_space<vmem_shared>> -> memref<625x128xf32, #tpu.memory_space<vmem_shared>>
    %dma_start3A_4 = arith.constant 0 : i32
    %dma_start3A_5 = tpu.memref_slice %arg5[%mul3A_2, %dma_start3A_4] : memref<10000x128xf32, #tpu.memory_space<hbm>> -> memref<625x128xf32, #tpu.memory_space<hbm>>
    tpu.enqueue_dma source(%dma_start3A_5 : memref<625x128xf32, #tpu.memory_space<hbm>>) target(%dma_start3A_3 : memref<625x128xf32, #tpu.memory_space<vmem_shared>>) target_semaphore(%arg16 : memref<!tpu.dma_semaphore, #tpu.memory_space<semaphore_mem>>)
    %dma_start3A_6 = arith.constant 0 : i32
    %dma_start3A_7 = arith.constant 0 : i32
    %dma_start3A_8 = tpu.memref_slice %arg3[%add3A, %dma_start3A_6, %dma_start3A_7] : memref<32x80x125xi32, #tpu.memory_space<hbm>> -> memref<1x16x125xi32, #tpu.memory_space<hbm>>
    %dma_start3A_9 = tpu.memref_squeeze %dma_start3A_8 : memref<1x16x125xi32, #tpu.memory_space<hbm>> -> memref<16x125xi32, #tpu.memory_space<hbm>>
    %dma_start3A_10 = arith.constant 0 : i32
    %dma_start3A_11 = arith.constant 0 : i32
    %dma_start3A_12 = tpu.memref_slice %arg3[%add3A, %dma_start3A_10, %dma_start3A_11] : memref<32x80x125xi32, #tpu.memory_space<hbm>> -> memref<1x16x125xi32, #tpu.memory_space<hbm>>
    %dma_start3A_13 = tpu.memref_squeeze %dma_start3A_12 : memref<1x16x125xi32, #tpu.memory_space<hbm>> -> memref<16x125xi32, #tpu.memory_space<hbm>>
    tpu.enqueue_dma source(%dma_start3A_13 : memref<16x125xi32, #tpu.memory_space<hbm>>) target(%arg10 : memref<16x125xi32, #tpu.memory_space<vmem>>) target_semaphore(%arg17 : memref<!tpu.dma_semaphore, #tpu.memory_space<semaphore_mem>>)
    "tpu.region"() ({
      %run_scoped3A = tpu.sem_alloc : memref<!tpu.dma_semaphore, #tpu.memory_space<semaphore_mem>>
      %dma_start3A_38 = arith.constant 0 : i32
      %dma_start3A_39 = tpu.memref_slice %arg19[%mul3A_2, %dma_start3A_38] : memref<10000x16xf32, #tpu.memory_space<vmem_shared>> -> memref<625x16xf32, #tpu.memory_space<vmem_shared>>
      %dma_start3A_40 = arith.constant 0 : i32
      %dma_start3A_41 = tpu.memref_slice %arg6[%mul3A_2, %dma_start3A_40] : memref<10000x16xf32, #tpu.memory_space<hbm>> -> memref<625x16xf32, #tpu.memory_space<hbm>>
      tpu.enqueue_dma source(%dma_start3A_41 : memref<625x16xf32, #tpu.memory_space<hbm>>) target(%dma_start3A_39 : memref<625x16xf32, #tpu.memory_space<vmem_shared>>) target_semaphore(%run_scoped3A : memref<!tpu.dma_semaphore, #tpu.memory_space<semaphore_mem>>)
      %dma_wait3A_42 = arith.constant 0 : i32
      %dma_wait3A_43 = tpu.memref_slice %arg19[%mul3A_2, %dma_wait3A_42] : memref<10000x16xf32, #tpu.memory_space<vmem_shared>> -> memref<625x16xf32, #tpu.memory_space<vmem_shared>>
      %dma_wait3A_44 = arith.constant 0 : i32
      %dma_wait3A_45 = tpu.memref_slice %arg6[%mul3A_2, %dma_wait3A_44] : memref<10000x16xf32, #tpu.memory_space<hbm>> -> memref<625x16xf32, #tpu.memory_space<hbm>>
      tpu.wait_dma2 semaphore(%run_scoped3A : memref<!tpu.dma_semaphore, #tpu.memory_space<semaphore_mem>>) src(%dma_wait3A_45 : memref<625x16xf32, #tpu.memory_space<hbm>>) dst(%dma_wait3A_43 : memref<625x16xf32, #tpu.memory_space<vmem_shared>>)
      tpu.yield
    }) : () -> ()
    "tpu.region"() ({
      %run_scoped3A = tpu.sem_alloc : memref<!tpu.dma_semaphore, #tpu.memory_space<semaphore_mem>>
      tpu.enqueue_dma source(%arg7 : memref<125x16xf32, #tpu.memory_space<hbm>>) target(%arg18 : memref<125x16xf32, #tpu.memory_space<vmem>>) target_semaphore(%run_scoped3A : memref<!tpu.dma_semaphore, #tpu.memory_space<semaphore_mem>>)
      tpu.wait_dma2 semaphore(%run_scoped3A : memref<!tpu.dma_semaphore, #tpu.memory_space<semaphore_mem>>) src(%arg7 : memref<125x16xf32, #tpu.memory_space<hbm>>) dst(%arg18 : memref<125x16xf32, #tpu.memory_space<vmem>>)
      tpu.yield
    }) : () -> ()
    %dma_wait3A = arith.constant 0 : i32
    %dma_wait3A_14 = tpu.memref_slice %arg15[%mul3A_2, %dma_wait3A] : memref<10000x128xf32, #tpu.memory_space<vmem_shared>> -> memref<625x128xf32, #tpu.memory_space<vmem_shared>>
    %dma_wait3A_15 = arith.constant 0 : i32
    %dma_wait3A_16 = tpu.memref_slice %arg5[%mul3A_2, %dma_wait3A_15] : memref<10000x128xf32, #tpu.memory_space<hbm>> -> memref<625x128xf32, #tpu.memory_space<hbm>>
    tpu.wait_dma2 semaphore(%arg16 : memref<!tpu.dma_semaphore, #tpu.memory_space<semaphore_mem>>) src(%dma_wait3A_16 : memref<625x128xf32, #tpu.memory_space<hbm>>) dst(%dma_wait3A_14 : memref<625x128xf32, #tpu.memory_space<vmem_shared>>)
    %dma_wait3A_17 = arith.constant 0 : i32
    %dma_wait3A_18 = arith.constant 0 : i32
    %dma_wait3A_19 = tpu.memref_slice %arg3[%add3A, %dma_wait3A_17, %dma_wait3A_18] : memref<32x80x125xi32, #tpu.memory_space<hbm>> -> memref<1x16x125xi32, #tpu.memory_space<hbm>>
    %dma_wait3A_20 = tpu.memref_squeeze %dma_wait3A_19 : memref<1x16x125xi32, #tpu.memory_space<hbm>> -> memref<16x125xi32, #tpu.memory_space<hbm>>
    %dma_wait3A_21 = arith.constant 0 : i32
    %dma_wait3A_22 = arith.constant 0 : i32
    %dma_wait3A_23 = tpu.memref_slice %arg3[%add3A, %dma_wait3A_21, %dma_wait3A_22] : memref<32x80x125xi32, #tpu.memory_space<hbm>> -> memref<1x16x125xi32, #tpu.memory_space<hbm>>
    %dma_wait3A_24 = tpu.memref_squeeze %dma_wait3A_23 : memref<1x16x125xi32, #tpu.memory_space<hbm>> -> memref<16x125xi32, #tpu.memory_space<hbm>>
    tpu.wait_dma2 semaphore(%arg17 : memref<!tpu.dma_semaphore, #tpu.memory_space<semaphore_mem>>) src(%dma_wait3A_24 : memref<16x125xi32, #tpu.memory_space<hbm>>) dst(%arg10 : memref<16x125xi32, #tpu.memory_space<vmem>>)
    %barrier3A = arith.constant 0 : index
    tpu.barrier barrier_id(%barrier3A)
    %dma_start3A_25 = arith.constant 0 : i32
    %dma_start3A_26 = arith.constant 0 : i32
    %dma_start3A_27 = tpu.memref_slice %arg10[%dma_start3A_25, %dma_start3A_26] : memref<16x125xi32, #tpu.memory_space<vmem>> -> memref<1x125xi32, #tpu.memory_space<vmem>>
    %dma_start3A_28 = tpu.memref_squeeze %dma_start3A_27 : memref<1x125xi32, #tpu.memory_space<vmem>> -> memref<125xi32, #tpu.memory_space<vmem>>
    %dma_start3A_29 = arith.constant 0 : i32
    %dma_start3A_30 = arith.constant 0 : i32
    %dma_start3A_31 = tpu.memref_slice %arg2[%dma_start3A_29, %dma_start3A_30] : memref<10000x128xf32, #tpu.memory_space<hbm>> -> memref<10000x128xf32, #tpu.memory_space<hbm>>
    tpu.enqueue_indirect_dma source(%dma_start3A_31 : memref<10000x128xf32, #tpu.memory_space<hbm>>) target(%arg13 : memref<125x128xf32, #tpu.memory_space<vmem>>) offsets(%dma_start3A_28 : memref<125xi32, #tpu.memory_space<vmem>>) semaphore(%arg16 : memref<!tpu.dma_semaphore, #tpu.memory_space<semaphore_mem>>)
    %scan3A = arith.constant 0 : i32
    %scan3A_32 = arith.constant 0 : i32
    %scan3A_33 = arith.constant 40 : i32
    %scan3A_34 = arith.addi %scan3A_32, %scan3A_33 : i32
    %scan3A_35 = arith.constant 1 : i32
    scf.for %scan3A_38 = %scan3A_32 to %scan3A_34 step %scan3A_35  : i32 {
      %mul3A_39 = arith.constant 2 : i32
      %mul3A_40 = arith.muli %mul3A_39, %scan3A_38 : i32
      %jit3A = arith.constant 16 : i32
      %div3A = arith.divsi %mul3A_40, %jit3A : i32
      %sign3A = arith.constant 0 : i32
      %sign3A_41 = arith.cmpi sgt, %mul3A_40, %sign3A : i32
      %sign3A_42 = arith.extui %sign3A_41 : i1 to i32
      %sign3A_43 = arith.constant 0 : i32
      %sign3A_44 = arith.cmpi slt, %mul3A_40, %sign3A_43 : i32
      %sign3A_45 = arith.extui %sign3A_44 : i1 to i32
      %sign3A_46 = arith.subi %sign3A_42, %sign3A_45 : i32
      %sign3A_47 = arith.constant 0 : i32
      %sign3A_48 = arith.cmpi sgt, %jit3A, %sign3A_47 : i32
      %sign3A_49 = arith.extui %sign3A_48 : i1 to i32
      %sign3A_50 = arith.constant 0 : i32
      %sign3A_51 = arith.cmpi slt, %jit3A, %sign3A_50 : i32
      %sign3A_52 = arith.extui %sign3A_51 : i1 to i32
      %sign3A_53 = arith.subi %sign3A_49, %sign3A_52 : i32
      %ne3A = arith.cmpi ne, %sign3A_46, %sign3A_53 : i32
      %rem3A = arith.remsi %mul3A_40, %jit3A : i32
      %ne3A_54 = arith.constant 0 : i32
      %ne3A_55 = arith.cmpi ne, %rem3A, %ne3A_54 : i32
      %and3A = arith.andi %ne3A, %ne3A_55 : i1
      %sub3A = arith.constant 1 : i32
      %sub3A_56 = arith.subi %div3A, %sub3A : i32
      %select_n3A = arith.select %and3A, %sub3A_56, %div3A : i32
      %jit3A_57 = arith.constant 16 : i32
      %eq3A = arith.constant 0 : i32
      %eq3A_58 = arith.cmpi eq, %jit3A_57, %eq3A : i32
      %jit3A_59 = arith.constant 1 : i32
      %select_n3A_60 = arith.select %eq3A_58, %jit3A_59, %jit3A_57 : i32
      %rem3A_61 = arith.remsi %mul3A_40, %select_n3A_60 : i32
      %ne3A_62 = arith.constant 0 : i32
      %ne3A_63 = arith.cmpi ne, %rem3A_61, %ne3A_62 : i32
      %lt3A = arith.constant 0 : i32
      %lt3A_64 = arith.cmpi slt, %rem3A_61, %lt3A : i32
      %lt3A_65 = arith.constant 0 : i32
      %lt3A_66 = arith.cmpi slt, %select_n3A_60, %lt3A_65 : i32
      %ne3A_67 = arith.xori %lt3A_64, %lt3A_66 : i1
      %and3A_68 = arith.andi %ne3A_67, %ne3A_63 : i1
      %add3A_69 = arith.addi %rem3A_61, %select_n3A_60 : i32
      %select_n3A_70 = arith.select %and3A_68, %add3A_69, %rem3A_61 : i32
      %eq3A_71 = arith.constant 0 : i32
      %eq3A_72 = arith.cmpi eq, %select_n3A_70, %eq3A_71 : i32
      %convert_element_type3A = arith.extui %eq3A_72 : i1 to i32
      %cond3A = arith.constant 0 : i32
      %cond3A_73 = arith.cmpi ne, %convert_element_type3A, %cond3A : i32
      scf.if %cond3A_73 {
        %mul3A_159 = arith.constant 16 : i32
        %mul3A_160 = arith.muli %select_n3A, %mul3A_159 : i32
        "tpu.region"() ({
          %run_scoped3A = tpu.sem_alloc : memref<!tpu.dma_semaphore, #tpu.memory_space<semaphore_mem>>
          %dma_start3A_161 = arith.constant 0 : i32
          %dma_start3A_162 = tpu.memref_slice %arg4[%add3A, %mul3A_160, %dma_start3A_161] : memref<32x80x125xi32, #tpu.memory_space<hbm>> -> memref<1x16x125xi32, #tpu.memory_space<hbm>>
          %dma_start3A_163 = tpu.memref_squeeze %dma_start3A_162 : memref<1x16x125xi32, #tpu.memory_space<hbm>> -> memref<16x125xi32, #tpu.memory_space<hbm>>
          %dma_start3A_164 = arith.constant 0 : i32
          %dma_start3A_165 = tpu.memref_slice %arg4[%add3A, %mul3A_160, %dma_start3A_164] : memref<32x80x125xi32, #tpu.memory_space<hbm>> -> memref<1x16x125xi32, #tpu.memory_space<hbm>>
          %dma_start3A_166 = tpu.memref_squeeze %dma_start3A_165 : memref<1x16x125xi32, #tpu.memory_space<hbm>> -> memref<16x125xi32, #tpu.memory_space<hbm>>
          tpu.enqueue_dma source(%dma_start3A_166 : memref<16x125xi32, #tpu.memory_space<hbm>>) target(%arg12 : memref<16x125xi32, #tpu.memory_space<vmem>>) target_semaphore(%run_scoped3A : memref<!tpu.dma_semaphore, #tpu.memory_space<semaphore_mem>>)
          %dma_wait3A_167 = arith.constant 0 : i32
          %dma_wait3A_168 = tpu.memref_slice %arg4[%add3A, %mul3A_160, %dma_wait3A_167] : memref<32x80x125xi32, #tpu.memory_space<hbm>> -> memref<1x16x125xi32, #tpu.memory_space<hbm>>
          %dma_wait3A_169 = tpu.memref_squeeze %dma_wait3A_168 : memref<1x16x125xi32, #tpu.memory_space<hbm>> -> memref<16x125xi32, #tpu.memory_space<hbm>>
          %dma_wait3A_170 = arith.constant 0 : i32
          %dma_wait3A_171 = tpu.memref_slice %arg4[%add3A, %mul3A_160, %dma_wait3A_170] : memref<32x80x125xi32, #tpu.memory_space<hbm>> -> memref<1x16x125xi32, #tpu.memory_space<hbm>>
          %dma_wait3A_172 = tpu.memref_squeeze %dma_wait3A_171 : memref<1x16x125xi32, #tpu.memory_space<hbm>> -> memref<16x125xi32, #tpu.memory_space<hbm>>
          tpu.wait_dma2 semaphore(%run_scoped3A : memref<!tpu.dma_semaphore, #tpu.memory_space<semaphore_mem>>) src(%dma_wait3A_172 : memref<16x125xi32, #tpu.memory_space<hbm>>) dst(%arg12 : memref<16x125xi32, #tpu.memory_space<vmem>>)
          tpu.yield
        }) : () -> ()
      } else {
      }
      %add3A_74 = arith.constant 1 : i32
      %add3A_75 = arith.addi %mul3A_40, %add3A_74 : i32
      %jit3A_76 = arith.constant 16 : i32
      %div3A_77 = arith.divsi %add3A_75, %jit3A_76 : i32
      %sign3A_78 = arith.constant 0 : i32
      %sign3A_79 = arith.cmpi sgt, %add3A_75, %sign3A_78 : i32
      %sign3A_80 = arith.extui %sign3A_79 : i1 to i32
      %sign3A_81 = arith.constant 0 : i32
      %sign3A_82 = arith.cmpi slt, %add3A_75, %sign3A_81 : i32
      %sign3A_83 = arith.extui %sign3A_82 : i1 to i32
      %sign3A_84 = arith.subi %sign3A_80, %sign3A_83 : i32
      %sign3A_85 = arith.constant 0 : i32
      %sign3A_86 = arith.cmpi sgt, %jit3A_76, %sign3A_85 : i32
      %sign3A_87 = arith.extui %sign3A_86 : i1 to i32
      %sign3A_88 = arith.constant 0 : i32
      %sign3A_89 = arith.cmpi slt, %jit3A_76, %sign3A_88 : i32
      %sign3A_90 = arith.extui %sign3A_89 : i1 to i32
      %sign3A_91 = arith.subi %sign3A_87, %sign3A_90 : i32
      %ne3A_92 = arith.cmpi ne, %sign3A_84, %sign3A_91 : i32
      %rem3A_93 = arith.remsi %add3A_75, %jit3A_76 : i32
      %ne3A_94 = arith.constant 0 : i32
      %ne3A_95 = arith.cmpi ne, %rem3A_93, %ne3A_94 : i32
      %and3A_96 = arith.andi %ne3A_92, %ne3A_95 : i1
      %sub3A_97 = arith.constant 1 : i32
      %sub3A_98 = arith.subi %div3A_77, %sub3A_97 : i32
      %select_n3A_99 = arith.select %and3A_96, %sub3A_98, %div3A_77 : i32
      %jit3A_100 = arith.constant 2 : i32
      %eq3A_101 = arith.constant 0 : i32
      %eq3A_102 = arith.cmpi eq, %jit3A_100, %eq3A_101 : i32
      %jit3A_103 = arith.constant 1 : i32
      %select_n3A_104 = arith.select %eq3A_102, %jit3A_103, %jit3A_100 : i32
      %rem3A_105 = arith.remsi %select_n3A_99, %select_n3A_104 : i32
      %ne3A_106 = arith.constant 0 : i32
      %ne3A_107 = arith.cmpi ne, %rem3A_105, %ne3A_106 : i32
      %lt3A_108 = arith.constant 0 : i32
      %lt3A_109 = arith.cmpi slt, %rem3A_105, %lt3A_108 : i32
      %lt3A_110 = arith.constant 0 : i32
      %lt3A_111 = arith.cmpi slt, %select_n3A_104, %lt3A_110 : i32
      %ne3A_112 = arith.xori %lt3A_109, %lt3A_111 : i1
      %and3A_113 = arith.andi %ne3A_112, %ne3A_107 : i1
      %add3A_114 = arith.addi %rem3A_105, %select_n3A_104 : i32
      %select_n3A_115 = arith.select %and3A_113, %add3A_114, %rem3A_105 : i32
      %eq3A_116 = arith.constant 0 : i32
      %eq3A_117 = arith.cmpi eq, %select_n3A_115, %eq3A_116 : i32
      %convert_element_type3A_118 = arith.extui %eq3A_117 : i1 to i32
      %cond3A_119 = arith.constant 0 : i32
      %cond3A_120 = arith.cmpi ne, %convert_element_type3A_118, %cond3A_119 : i32
      scf.if %cond3A_120 {
        %jit3A_159 = arith.constant 16 : i32
        %eq3A_160 = arith.constant 0 : i32
        %eq3A_161 = arith.cmpi eq, %jit3A_159, %eq3A_160 : i32
        %jit3A_162 = arith.constant 1 : i32
        %select_n3A_163 = arith.select %eq3A_161, %jit3A_162, %jit3A_159 : i32
        %rem3A_164 = arith.remsi %add3A_75, %select_n3A_163 : i32
        %ne3A_165 = arith.constant 0 : i32
        %ne3A_166 = arith.cmpi ne, %rem3A_164, %ne3A_165 : i32
        %lt3A_167 = arith.constant 0 : i32
        %lt3A_168 = arith.cmpi slt, %rem3A_164, %lt3A_167 : i32
        %lt3A_169 = arith.constant 0 : i32
        %lt3A_170 = arith.cmpi slt, %select_n3A_163, %lt3A_169 : i32
        %ne3A_171 = arith.xori %lt3A_168, %lt3A_170 : i1
        %and3A_172 = arith.andi %ne3A_171, %ne3A_166 : i1
        %add3A_173 = arith.addi %rem3A_164, %select_n3A_163 : i32
        %select_n3A_174 = arith.select %and3A_172, %add3A_173, %rem3A_164 : i32
        %dma_start3A_175 = arith.constant 0 : i32
        %dma_start3A_176 = tpu.memref_slice %arg10[%select_n3A_174, %dma_start3A_175] : memref<16x125xi32, #tpu.memory_space<vmem>> -> memref<1x125xi32, #tpu.memory_space<vmem>>
        %dma_start3A_177 = tpu.memref_squeeze %dma_start3A_176 : memref<1x125xi32, #tpu.memory_space<vmem>> -> memref<125xi32, #tpu.memory_space<vmem>>
        %dma_start3A_178 = arith.constant 0 : i32
        %dma_start3A_179 = arith.constant 0 : i32
        %dma_start3A_180 = tpu.memref_slice %arg2[%dma_start3A_178, %dma_start3A_179] : memref<10000x128xf32, #tpu.memory_space<hbm>> -> memref<10000x128xf32, #tpu.memory_space<hbm>>
        tpu.enqueue_indirect_dma source(%dma_start3A_180 : memref<10000x128xf32, #tpu.memory_space<hbm>>) target(%arg14 : memref<125x128xf32, #tpu.memory_space<vmem>>) offsets(%dma_start3A_177 : memref<125xi32, #tpu.memory_space<vmem>>) semaphore(%arg17 : memref<!tpu.dma_semaphore, #tpu.memory_space<semaphore_mem>>)
      } else {
      }
      %eq3A_121 = arith.constant 1 : i32
      %eq3A_122 = arith.cmpi eq, %select_n3A_115, %eq3A_121 : i32
      %convert_element_type3A_123 = arith.extui %eq3A_122 : i1 to i32
      %cond3A_124 = arith.constant 0 : i32
      %cond3A_125 = arith.cmpi ne, %convert_element_type3A_123, %cond3A_124 : i32
      scf.if %cond3A_125 {
        %jit3A_159 = arith.constant 16 : i32
        %eq3A_160 = arith.constant 0 : i32
        %eq3A_161 = arith.cmpi eq, %jit3A_159, %eq3A_160 : i32
        %jit3A_162 = arith.constant 1 : i32
        %select_n3A_163 = arith.select %eq3A_161, %jit3A_162, %jit3A_159 : i32
        %rem3A_164 = arith.remsi %add3A_75, %select_n3A_163 : i32
        %ne3A_165 = arith.constant 0 : i32
        %ne3A_166 = arith.cmpi ne, %rem3A_164, %ne3A_165 : i32
        %lt3A_167 = arith.constant 0 : i32
        %lt3A_168 = arith.cmpi slt, %rem3A_164, %lt3A_167 : i32
        %lt3A_169 = arith.constant 0 : i32
        %lt3A_170 = arith.cmpi slt, %select_n3A_163, %lt3A_169 : i32
        %ne3A_171 = arith.xori %lt3A_168, %lt3A_170 : i1
        %and3A_172 = arith.andi %ne3A_171, %ne3A_166 : i1
        %add3A_173 = arith.addi %rem3A_164, %select_n3A_163 : i32
        %select_n3A_174 = arith.select %and3A_172, %add3A_173, %rem3A_164 : i32
        %dma_start3A_175 = arith.constant 0 : i32
        %dma_start3A_176 = tpu.memref_slice %arg11[%select_n3A_174, %dma_start3A_175] : memref<16x125xi32, #tpu.memory_space<vmem>> -> memref<1x125xi32, #tpu.memory_space<vmem>>
        %dma_start3A_177 = tpu.memref_squeeze %dma_start3A_176 : memref<1x125xi32, #tpu.memory_space<vmem>> -> memref<125xi32, #tpu.memory_space<vmem>>
        %dma_start3A_178 = arith.constant 0 : i32
        %dma_start3A_179 = arith.constant 0 : i32
        %dma_start3A_180 = tpu.memref_slice %arg2[%dma_start3A_178, %dma_start3A_179] : memref<10000x128xf32, #tpu.memory_space<hbm>> -> memref<10000x128xf32, #tpu.memory_space<hbm>>
        tpu.enqueue_indirect_dma source(%dma_start3A_180 : memref<10000x128xf32, #tpu.memory_space<hbm>>) target(%arg14 : memref<125x128xf32, #tpu.memory_space<vmem>>) offsets(%dma_start3A_177 : memref<125xi32, #tpu.memory_space<vmem>>) semaphore(%arg17 : memref<!tpu.dma_semaphore, #tpu.memory_space<semaphore_mem>>)
      } else {
      }
      %dma_wait3A_126 = arith.constant 0 : i32
      %dma_wait3A_127 = arith.constant 0 : i32
      %dma_wait3A_128 = tpu.memref_slice %arg10[%dma_wait3A_126, %dma_wait3A_127] : memref<16x125xi32, #tpu.memory_space<vmem>> -> memref<1x125xi32, #tpu.memory_space<vmem>>
      %dma_wait3A_129 = tpu.memref_squeeze %dma_wait3A_128 : memref<1x125xi32, #tpu.memory_space<vmem>> -> memref<125xi32, #tpu.memory_space<vmem>>
      %dma_wait3A_130 = arith.constant 0 : i32
      %dma_wait3A_131 = arith.constant 0 : i32
      %dma_wait3A_132 = tpu.memref_slice %arg2[%dma_wait3A_130, %dma_wait3A_131] : memref<10000x128xf32, #tpu.memory_space<hbm>> -> memref<10000x128xf32, #tpu.memory_space<hbm>>
      tpu.wait_indirect_dma semaphore(%arg16 : memref<!tpu.dma_semaphore, #tpu.memory_space<semaphore_mem>>) src(%dma_wait3A_132 : memref<10000x128xf32, #tpu.memory_space<hbm>>) dst(%arg13 : memref<125x128xf32, #tpu.memory_space<vmem>>)
      "tpu.region"() ({
        %run_scoped3A = tpu.sem_alloc : memref<!tpu.dma_semaphore, #tpu.memory_space<semaphore_mem>>
        %dma_start3A_159 = arith.constant 0 : i32
        %dma_start3A_160 = tpu.memref_slice %arg12[%select_n3A_70, %dma_start3A_159] : memref<16x125xi32, #tpu.memory_space<vmem>> -> memref<1x125xi32, #tpu.memory_space<vmem>>
        %dma_start3A_161 = tpu.memref_squeeze %dma_start3A_160 : memref<1x125xi32, #tpu.memory_space<vmem>> -> memref<125xi32, #tpu.memory_space<vmem>>
        %dma_start3A_162 = arith.constant 0 : i32
        %dma_start3A_163 = arith.constant 0 : i32
        %dma_start3A_164 = tpu.memref_slice %arg15[%dma_start3A_162, %dma_start3A_163] : memref<10000x128xf32, #tpu.memory_space<vmem_shared>> -> memref<10000x128xf32, #tpu.memory_space<vmem_shared>>
        tpu.enqueue_indirect_dma source(%arg13 : memref<125x128xf32, #tpu.memory_space<vmem>>) target(%dma_start3A_164 : memref<10000x128xf32, #tpu.memory_space<vmem_shared>>) offsets(%dma_start3A_161 : memref<125xi32, #tpu.memory_space<vmem>>) semaphore(%run_scoped3A : memref<!tpu.dma_semaphore, #tpu.memory_space<semaphore_mem>>) {add = true}
        %dma_wait3A_165 = arith.constant 0 : i32
        %dma_wait3A_166 = tpu.memref_slice %arg12[%select_n3A_70, %dma_wait3A_165] : memref<16x125xi32, #tpu.memory_space<vmem>> -> memref<1x125xi32, #tpu.memory_space<vmem>>
        %dma_wait3A_167 = tpu.memref_squeeze %dma_wait3A_166 : memref<1x125xi32, #tpu.memory_space<vmem>> -> memref<125xi32, #tpu.memory_space<vmem>>
        %dma_wait3A_168 = arith.constant 0 : i32
        %dma_wait3A_169 = arith.constant 0 : i32
        %dma_wait3A_170 = tpu.memref_slice %arg15[%dma_wait3A_168, %dma_wait3A_169] : memref<10000x128xf32, #tpu.memory_space<vmem_shared>> -> memref<10000x128xf32, #tpu.memory_space<vmem_shared>>
        tpu.wait_indirect_dma semaphore(%run_scoped3A : memref<!tpu.dma_semaphore, #tpu.memory_space<semaphore_mem>>) src(%arg13 : memref<125x128xf32, #tpu.memory_space<vmem>>) dst(%dma_wait3A_170 : memref<10000x128xf32, #tpu.memory_space<vmem_shared>>)
        tpu.yield
      }) : () -> ()
      "tpu.region"() ({
        %run_scoped3A = tpu.sem_alloc : memref<!tpu.dma_semaphore, #tpu.memory_space<semaphore_mem>>
        %dma_start3A_159 = arith.constant 0 : i32
        %dma_start3A_160 = tpu.memref_slice %arg12[%select_n3A_70, %dma_start3A_159] : memref<16x125xi32, #tpu.memory_space<vmem>> -> memref<1x125xi32, #tpu.memory_space<vmem>>
        %dma_start3A_161 = tpu.memref_squeeze %dma_start3A_160 : memref<1x125xi32, #tpu.memory_space<vmem>> -> memref<125xi32, #tpu.memory_space<vmem>>
        %dma_start3A_162 = arith.constant 0 : i32
        %dma_start3A_163 = arith.constant 0 : i32
        %dma_start3A_164 = tpu.memref_slice %arg19[%dma_start3A_162, %dma_start3A_163] : memref<10000x16xf32, #tpu.memory_space<vmem_shared>> -> memref<10000x16xf32, #tpu.memory_space<vmem_shared>>
        tpu.enqueue_indirect_dma source(%arg18 : memref<125x16xf32, #tpu.memory_space<vmem>>) target(%dma_start3A_164 : memref<10000x16xf32, #tpu.memory_space<vmem_shared>>) offsets(%dma_start3A_161 : memref<125xi32, #tpu.memory_space<vmem>>) semaphore(%run_scoped3A : memref<!tpu.dma_semaphore, #tpu.memory_space<semaphore_mem>>) {add = true}
        %dma_wait3A_165 = arith.constant 0 : i32
        %dma_wait3A_166 = tpu.memref_slice %arg12[%select_n3A_70, %dma_wait3A_165] : memref<16x125xi32, #tpu.memory_space<vmem>> -> memref<1x125xi32, #tpu.memory_space<vmem>>
        %dma_wait3A_167 = tpu.memref_squeeze %dma_wait3A_166 : memref<1x125xi32, #tpu.memory_space<vmem>> -> memref<125xi32, #tpu.memory_space<vmem>>
        %dma_wait3A_168 = arith.constant 0 : i32
        %dma_wait3A_169 = arith.constant 0 : i32
        %dma_wait3A_170 = tpu.memref_slice %arg19[%dma_wait3A_168, %dma_wait3A_169] : memref<10000x16xf32, #tpu.memory_space<vmem_shared>> -> memref<10000x16xf32, #tpu.memory_space<vmem_shared>>
        tpu.wait_indirect_dma semaphore(%run_scoped3A : memref<!tpu.dma_semaphore, #tpu.memory_space<semaphore_mem>>) src(%arg18 : memref<125x16xf32, #tpu.memory_space<vmem>>) dst(%dma_wait3A_170 : memref<10000x16xf32, #tpu.memory_space<vmem_shared>>)
        tpu.yield
      }) : () -> ()
      %eq3A_133 = arith.constant 4 : i32
      %eq3A_134 = arith.cmpi eq, %select_n3A_70, %eq3A_133 : i32
      %add3A_135 = arith.constant 1 : i32
      %add3A_136 = arith.addi %select_n3A, %add3A_135 : i32
      %lt3A_137 = arith.constant 5 : i32
      %lt3A_138 = arith.cmpi slt, %add3A_136, %lt3A_137 : i32
      %and3A_139 = arith.andi %eq3A_134, %lt3A_138 : i1
      %convert_element_type3A_140 = arith.extui %and3A_139 : i1 to i32
      %cond3A_141 = arith.constant 0 : i32
      %cond3A_142 = arith.cmpi ne, %convert_element_type3A_140, %cond3A_141 : i32
      scf.if %cond3A_142 {
        %add3A_159 = arith.constant 1 : i32
        %add3A_160 = arith.addi %select_n3A, %add3A_159 : i32
        %jit3A_161 = arith.constant 2 : i32
        %eq3A_162 = arith.constant 0 : i32
        %eq3A_163 = arith.cmpi eq, %jit3A_161, %eq3A_162 : i32
        %jit3A_164 = arith.constant 1 : i32
        %select_n3A_165 = arith.select %eq3A_163, %jit3A_164, %jit3A_161 : i32
        %rem3A_166 = arith.remsi %add3A_160, %select_n3A_165 : i32
        %ne3A_167 = arith.constant 0 : i32
        %ne3A_168 = arith.cmpi ne, %rem3A_166, %ne3A_167 : i32
        %lt3A_169 = arith.constant 0 : i32
        %lt3A_170 = arith.cmpi slt, %rem3A_166, %lt3A_169 : i32
        %lt3A_171 = arith.constant 0 : i32
        %lt3A_172 = arith.cmpi slt, %select_n3A_165, %lt3A_171 : i32
        %ne3A_173 = arith.xori %lt3A_170, %lt3A_172 : i1
        %and3A_174 = arith.andi %ne3A_173, %ne3A_168 : i1
        %add3A_175 = arith.addi %rem3A_166, %select_n3A_165 : i32
        %select_n3A_176 = arith.select %and3A_174, %add3A_175, %rem3A_166 : i32
        %eq3A_177 = arith.constant 0 : i32
        %eq3A_178 = arith.cmpi eq, %select_n3A_176, %eq3A_177 : i32
        %convert_element_type3A_179 = arith.extui %eq3A_178 : i1 to i32
        %cond3A_180 = arith.constant 0 : i32
        %cond3A_181 = arith.cmpi ne, %convert_element_type3A_179, %cond3A_180 : i32
        scf.if %cond3A_181 {
          %add3A_187 = arith.constant 1 : i32
          %add3A_188 = arith.addi %select_n3A, %add3A_187 : i32
          %mul3A_189 = arith.constant 16 : i32
          %mul3A_190 = arith.muli %add3A_188, %mul3A_189 : i32
          "tpu.region"() ({
            %run_scoped3A = tpu.sem_alloc : memref<!tpu.dma_semaphore, #tpu.memory_space<semaphore_mem>>
            %dma_start3A_191 = arith.constant 0 : i32
            %dma_start3A_192 = tpu.memref_slice %arg3[%add3A, %mul3A_190, %dma_start3A_191] : memref<32x80x125xi32, #tpu.memory_space<hbm>> -> memref<1x16x125xi32, #tpu.memory_space<hbm>>
            %dma_start3A_193 = tpu.memref_squeeze %dma_start3A_192 : memref<1x16x125xi32, #tpu.memory_space<hbm>> -> memref<16x125xi32, #tpu.memory_space<hbm>>
            %dma_start3A_194 = arith.constant 0 : i32
            %dma_start3A_195 = tpu.memref_slice %arg3[%add3A, %mul3A_190, %dma_start3A_194] : memref<32x80x125xi32, #tpu.memory_space<hbm>> -> memref<1x16x125xi32, #tpu.memory_space<hbm>>
            %dma_start3A_196 = tpu.memref_squeeze %dma_start3A_195 : memref<1x16x125xi32, #tpu.memory_space<hbm>> -> memref<16x125xi32, #tpu.memory_space<hbm>>
            tpu.enqueue_dma source(%dma_start3A_196 : memref<16x125xi32, #tpu.memory_space<hbm>>) target(%arg10 : memref<16x125xi32, #tpu.memory_space<vmem>>) target_semaphore(%run_scoped3A : memref<!tpu.dma_semaphore, #tpu.memory_space<semaphore_mem>>)
            %dma_wait3A_197 = arith.constant 0 : i32
            %dma_wait3A_198 = tpu.memref_slice %arg3[%add3A, %mul3A_190, %dma_wait3A_197] : memref<32x80x125xi32, #tpu.memory_space<hbm>> -> memref<1x16x125xi32, #tpu.memory_space<hbm>>
            %dma_wait3A_199 = tpu.memref_squeeze %dma_wait3A_198 : memref<1x16x125xi32, #tpu.memory_space<hbm>> -> memref<16x125xi32, #tpu.memory_space<hbm>>
            %dma_wait3A_200 = arith.constant 0 : i32
            %dma_wait3A_201 = tpu.memref_slice %arg3[%add3A, %mul3A_190, %dma_wait3A_200] : memref<32x80x125xi32, #tpu.memory_space<hbm>> -> memref<1x16x125xi32, #tpu.memory_space<hbm>>
            %dma_wait3A_202 = tpu.memref_squeeze %dma_wait3A_201 : memref<1x16x125xi32, #tpu.memory_space<hbm>> -> memref<16x125xi32, #tpu.memory_space<hbm>>
            tpu.wait_dma2 semaphore(%run_scoped3A : memref<!tpu.dma_semaphore, #tpu.memory_space<semaphore_mem>>) src(%dma_wait3A_202 : memref<16x125xi32, #tpu.memory_space<hbm>>) dst(%arg10 : memref<16x125xi32, #tpu.memory_space<vmem>>)
            tpu.yield
          }) : () -> ()
        } else {
        }
        %eq3A_182 = arith.constant 1 : i32
        %eq3A_183 = arith.cmpi eq, %select_n3A_176, %eq3A_182 : i32
        %convert_element_type3A_184 = arith.extui %eq3A_183 : i1 to i32
        %cond3A_185 = arith.constant 0 : i32
        %cond3A_186 = arith.cmpi ne, %convert_element_type3A_184, %cond3A_185 : i32
        scf.if %cond3A_186 {
          %add3A_187 = arith.constant 1 : i32
          %add3A_188 = arith.addi %select_n3A, %add3A_187 : i32
          %mul3A_189 = arith.constant 16 : i32
          %mul3A_190 = arith.muli %add3A_188, %mul3A_189 : i32
          "tpu.region"() ({
            %run_scoped3A = tpu.sem_alloc : memref<!tpu.dma_semaphore, #tpu.memory_space<semaphore_mem>>
            %dma_start3A_191 = arith.constant 0 : i32
            %dma_start3A_192 = tpu.memref_slice %arg3[%add3A, %mul3A_190, %dma_start3A_191] : memref<32x80x125xi32, #tpu.memory_space<hbm>> -> memref<1x16x125xi32, #tpu.memory_space<hbm>>
            %dma_start3A_193 = tpu.memref_squeeze %dma_start3A_192 : memref<1x16x125xi32, #tpu.memory_space<hbm>> -> memref<16x125xi32, #tpu.memory_space<hbm>>
            %dma_start3A_194 = arith.constant 0 : i32
            %dma_start3A_195 = tpu.memref_slice %arg3[%add3A, %mul3A_190, %dma_start3A_194] : memref<32x80x125xi32, #tpu.memory_space<hbm>> -> memref<1x16x125xi32, #tpu.memory_space<hbm>>
            %dma_start3A_196 = tpu.memref_squeeze %dma_start3A_195 : memref<1x16x125xi32, #tpu.memory_space<hbm>> -> memref<16x125xi32, #tpu.memory_space<hbm>>
            tpu.enqueue_dma source(%dma_start3A_196 : memref<16x125xi32, #tpu.memory_space<hbm>>) target(%arg11 : memref<16x125xi32, #tpu.memory_space<vmem>>) target_semaphore(%run_scoped3A : memref<!tpu.dma_semaphore, #tpu.memory_space<semaphore_mem>>)
            %dma_wait3A_197 = arith.constant 0 : i32
            %dma_wait3A_198 = tpu.memref_slice %arg3[%add3A, %mul3A_190, %dma_wait3A_197] : memref<32x80x125xi32, #tpu.memory_space<hbm>> -> memref<1x16x125xi32, #tpu.memory_space<hbm>>
            %dma_wait3A_199 = tpu.memref_squeeze %dma_wait3A_198 : memref<1x16x125xi32, #tpu.memory_space<hbm>> -> memref<16x125xi32, #tpu.memory_space<hbm>>
            %dma_wait3A_200 = arith.constant 0 : i32
            %dma_wait3A_201 = tpu.memref_slice %arg3[%add3A, %mul3A_190, %dma_wait3A_200] : memref<32x80x125xi32, #tpu.memory_space<hbm>> -> memref<1x16x125xi32, #tpu.memory_space<hbm>>
            %dma_wait3A_202 = tpu.memref_squeeze %dma_wait3A_201 : memref<1x16x125xi32, #tpu.memory_space<hbm>> -> memref<16x125xi32, #tpu.memory_space<hbm>>
            tpu.wait_dma2 semaphore(%run_scoped3A : memref<!tpu.dma_semaphore, #tpu.memory_space<semaphore_mem>>) src(%dma_wait3A_202 : memref<16x125xi32, #tpu.memory_space<hbm>>) dst(%arg11 : memref<16x125xi32, #tpu.memory_space<vmem>>)
            tpu.yield
          }) : () -> ()
        } else {
        }
      } else {
      }
      %add3A_143 = arith.constant 1 : i32
      %add3A_144 = arith.addi %scan3A_38, %add3A_143 : i32
      %lt3A_145 = arith.constant 40 : i32
      %lt3A_146 = arith.cmpi slt, %add3A_144, %lt3A_145 : i32
      %convert_element_type3A_147 = arith.extui %lt3A_146 : i1 to i32
      %cond3A_148 = arith.constant 0 : i32
      %cond3A_149 = arith.cmpi ne, %convert_element_type3A_147, %cond3A_148 : i32
      scf.if %cond3A_149 {
        %add3A_159 = arith.constant 2 : i32
        %add3A_160 = arith.addi %mul3A_40, %add3A_159 : i32
        %jit3A_161 = arith.constant 16 : i32
        %div3A_162 = arith.divsi %add3A_160, %jit3A_161 : i32
        %sign3A_163 = arith.constant 0 : i32
        %sign3A_164 = arith.cmpi sgt, %add3A_160, %sign3A_163 : i32
        %sign3A_165 = arith.extui %sign3A_164 : i1 to i32
        %sign3A_166 = arith.constant 0 : i32
        %sign3A_167 = arith.cmpi slt, %add3A_160, %sign3A_166 : i32
        %sign3A_168 = arith.extui %sign3A_167 : i1 to i32
        %sign3A_169 = arith.subi %sign3A_165, %sign3A_168 : i32
        %sign3A_170 = arith.constant 0 : i32
        %sign3A_171 = arith.cmpi sgt, %jit3A_161, %sign3A_170 : i32
        %sign3A_172 = arith.extui %sign3A_171 : i1 to i32
        %sign3A_173 = arith.constant 0 : i32
        %sign3A_174 = arith.cmpi slt, %jit3A_161, %sign3A_173 : i32
        %sign3A_175 = arith.extui %sign3A_174 : i1 to i32
        %sign3A_176 = arith.subi %sign3A_172, %sign3A_175 : i32
        %ne3A_177 = arith.cmpi ne, %sign3A_169, %sign3A_176 : i32
        %rem3A_178 = arith.remsi %add3A_160, %jit3A_161 : i32
        %ne3A_179 = arith.constant 0 : i32
        %ne3A_180 = arith.cmpi ne, %rem3A_178, %ne3A_179 : i32
        %and3A_181 = arith.andi %ne3A_177, %ne3A_180 : i1
        %sub3A_182 = arith.constant 1 : i32
        %sub3A_183 = arith.subi %div3A_162, %sub3A_182 : i32
        %select_n3A_184 = arith.select %and3A_181, %sub3A_183, %div3A_162 : i32
        %jit3A_185 = arith.constant 2 : i32
        %eq3A_186 = arith.constant 0 : i32
        %eq3A_187 = arith.cmpi eq, %jit3A_185, %eq3A_186 : i32
        %jit3A_188 = arith.constant 1 : i32
        %select_n3A_189 = arith.select %eq3A_187, %jit3A_188, %jit3A_185 : i32
        %rem3A_190 = arith.remsi %select_n3A_184, %select_n3A_189 : i32
        %ne3A_191 = arith.constant 0 : i32
        %ne3A_192 = arith.cmpi ne, %rem3A_190, %ne3A_191 : i32
        %lt3A_193 = arith.constant 0 : i32
        %lt3A_194 = arith.cmpi slt, %rem3A_190, %lt3A_193 : i32
        %lt3A_195 = arith.constant 0 : i32
        %lt3A_196 = arith.cmpi slt, %select_n3A_189, %lt3A_195 : i32
        %ne3A_197 = arith.xori %lt3A_194, %lt3A_196 : i1
        %and3A_198 = arith.andi %ne3A_197, %ne3A_192 : i1
        %add3A_199 = arith.addi %rem3A_190, %select_n3A_189 : i32
        %select_n3A_200 = arith.select %and3A_198, %add3A_199, %rem3A_190 : i32
        %eq3A_201 = arith.constant 0 : i32
        %eq3A_202 = arith.cmpi eq, %select_n3A_200, %eq3A_201 : i32
        %convert_element_type3A_203 = arith.extui %eq3A_202 : i1 to i32
        %cond3A_204 = arith.constant 0 : i32
        %cond3A_205 = arith.cmpi ne, %convert_element_type3A_203, %cond3A_204 : i32
        scf.if %cond3A_205 {
          %jit3A_211 = arith.constant 16 : i32
          %eq3A_212 = arith.constant 0 : i32
          %eq3A_213 = arith.cmpi eq, %jit3A_211, %eq3A_212 : i32
          %jit3A_214 = arith.constant 1 : i32
          %select_n3A_215 = arith.select %eq3A_213, %jit3A_214, %jit3A_211 : i32
          %rem3A_216 = arith.remsi %add3A_160, %select_n3A_215 : i32
          %ne3A_217 = arith.constant 0 : i32
          %ne3A_218 = arith.cmpi ne, %rem3A_216, %ne3A_217 : i32
          %lt3A_219 = arith.constant 0 : i32
          %lt3A_220 = arith.cmpi slt, %rem3A_216, %lt3A_219 : i32
          %lt3A_221 = arith.constant 0 : i32
          %lt3A_222 = arith.cmpi slt, %select_n3A_215, %lt3A_221 : i32
          %ne3A_223 = arith.xori %lt3A_220, %lt3A_222 : i1
          %and3A_224 = arith.andi %ne3A_223, %ne3A_218 : i1
          %add3A_225 = arith.addi %rem3A_216, %select_n3A_215 : i32
          %select_n3A_226 = arith.select %and3A_224, %add3A_225, %rem3A_216 : i32
          %dma_start3A_227 = arith.constant 0 : i32
          %dma_start3A_228 = tpu.memref_slice %arg10[%select_n3A_226, %dma_start3A_227] : memref<16x125xi32, #tpu.memory_space<vmem>> -> memref<1x125xi32, #tpu.memory_space<vmem>>
          %dma_start3A_229 = tpu.memref_squeeze %dma_start3A_228 : memref<1x125xi32, #tpu.memory_space<vmem>> -> memref<125xi32, #tpu.memory_space<vmem>>
          %dma_start3A_230 = arith.constant 0 : i32
          %dma_start3A_231 = arith.constant 0 : i32
          %dma_start3A_232 = tpu.memref_slice %arg2[%dma_start3A_230, %dma_start3A_231] : memref<10000x128xf32, #tpu.memory_space<hbm>> -> memref<10000x128xf32, #tpu.memory_space<hbm>>
          tpu.enqueue_indirect_dma source(%dma_start3A_232 : memref<10000x128xf32, #tpu.memory_space<hbm>>) target(%arg13 : memref<125x128xf32, #tpu.memory_space<vmem>>) offsets(%dma_start3A_229 : memref<125xi32, #tpu.memory_space<vmem>>) semaphore(%arg16 : memref<!tpu.dma_semaphore, #tpu.memory_space<semaphore_mem>>)
        } else {
        }
        %eq3A_206 = arith.constant 1 : i32
        %eq3A_207 = arith.cmpi eq, %select_n3A_200, %eq3A_206 : i32
        %convert_element_type3A_208 = arith.extui %eq3A_207 : i1 to i32
        %cond3A_209 = arith.constant 0 : i32
        %cond3A_210 = arith.cmpi ne, %convert_element_type3A_208, %cond3A_209 : i32
        scf.if %cond3A_210 {
          %jit3A_211 = arith.constant 16 : i32
          %eq3A_212 = arith.constant 0 : i32
          %eq3A_213 = arith.cmpi eq, %jit3A_211, %eq3A_212 : i32
          %jit3A_214 = arith.constant 1 : i32
          %select_n3A_215 = arith.select %eq3A_213, %jit3A_214, %jit3A_211 : i32
          %rem3A_216 = arith.remsi %add3A_160, %select_n3A_215 : i32
          %ne3A_217 = arith.constant 0 : i32
          %ne3A_218 = arith.cmpi ne, %rem3A_216, %ne3A_217 : i32
          %lt3A_219 = arith.constant 0 : i32
          %lt3A_220 = arith.cmpi slt, %rem3A_216, %lt3A_219 : i32
          %lt3A_221 = arith.constant 0 : i32
          %lt3A_222 = arith.cmpi slt, %select_n3A_215, %lt3A_221 : i32
          %ne3A_223 = arith.xori %lt3A_220, %lt3A_222 : i1
          %and3A_224 = arith.andi %ne3A_223, %ne3A_218 : i1
          %add3A_225 = arith.addi %rem3A_216, %select_n3A_215 : i32
          %select_n3A_226 = arith.select %and3A_224, %add3A_225, %rem3A_216 : i32
          %dma_start3A_227 = arith.constant 0 : i32
          %dma_start3A_228 = tpu.memref_slice %arg11[%select_n3A_226, %dma_start3A_227] : memref<16x125xi32, #tpu.memory_space<vmem>> -> memref<1x125xi32, #tpu.memory_space<vmem>>
          %dma_start3A_229 = tpu.memref_squeeze %dma_start3A_228 : memref<1x125xi32, #tpu.memory_space<vmem>> -> memref<125xi32, #tpu.memory_space<vmem>>
          %dma_start3A_230 = arith.constant 0 : i32
          %dma_start3A_231 = arith.constant 0 : i32
          %dma_start3A_232 = tpu.memref_slice %arg2[%dma_start3A_230, %dma_start3A_231] : memref<10000x128xf32, #tpu.memory_space<hbm>> -> memref<10000x128xf32, #tpu.memory_space<hbm>>
          tpu.enqueue_indirect_dma source(%dma_start3A_232 : memref<10000x128xf32, #tpu.memory_space<hbm>>) target(%arg13 : memref<125x128xf32, #tpu.memory_space<vmem>>) offsets(%dma_start3A_229 : memref<125xi32, #tpu.memory_space<vmem>>) semaphore(%arg16 : memref<!tpu.dma_semaphore, #tpu.memory_space<semaphore_mem>>)
        } else {
        }
      } else {
      }
      %add3A_150 = arith.constant 1 : i32
      %add3A_151 = arith.addi %select_n3A_70, %add3A_150 : i32
      %dma_wait3A_152 = arith.constant 0 : i32
      %dma_wait3A_153 = arith.constant 0 : i32
      %dma_wait3A_154 = tpu.memref_slice %arg10[%dma_wait3A_152, %dma_wait3A_153] : memref<16x125xi32, #tpu.memory_space<vmem>> -> memref<1x125xi32, #tpu.memory_space<vmem>>
      %dma_wait3A_155 = tpu.memref_squeeze %dma_wait3A_154 : memref<1x125xi32, #tpu.memory_space<vmem>> -> memref<125xi32, #tpu.memory_space<vmem>>
      %dma_wait3A_156 = arith.constant 0 : i32
      %dma_wait3A_157 = arith.constant 0 : i32
      %dma_wait3A_158 = tpu.memref_slice %arg2[%dma_wait3A_156, %dma_wait3A_157] : memref<10000x128xf32, #tpu.memory_space<hbm>> -> memref<10000x128xf32, #tpu.memory_space<hbm>>
      tpu.wait_indirect_dma semaphore(%arg17 : memref<!tpu.dma_semaphore, #tpu.memory_space<semaphore_mem>>) src(%dma_wait3A_158 : memref<10000x128xf32, #tpu.memory_space<hbm>>) dst(%arg14 : memref<125x128xf32, #tpu.memory_space<vmem>>)
      "tpu.region"() ({
        %run_scoped3A = tpu.sem_alloc : memref<!tpu.dma_semaphore, #tpu.memory_space<semaphore_mem>>
        %dma_start3A_159 = arith.constant 0 : i32
        %dma_start3A_160 = tpu.memref_slice %arg12[%add3A_151, %dma_start3A_159] : memref<16x125xi32, #tpu.memory_space<vmem>> -> memref<1x125xi32, #tpu.memory_space<vmem>>
        %dma_start3A_161 = tpu.memref_squeeze %dma_start3A_160 : memref<1x125xi32, #tpu.memory_space<vmem>> -> memref<125xi32, #tpu.memory_space<vmem>>
        %dma_start3A_162 = arith.constant 0 : i32
        %dma_start3A_163 = arith.constant 0 : i32
        %dma_start3A_164 = tpu.memref_slice %arg15[%dma_start3A_162, %dma_start3A_163] : memref<10000x128xf32, #tpu.memory_space<vmem_shared>> -> memref<10000x128xf32, #tpu.memory_space<vmem_shared>>
        tpu.enqueue_indirect_dma source(%arg14 : memref<125x128xf32, #tpu.memory_space<vmem>>) target(%dma_start3A_164 : memref<10000x128xf32, #tpu.memory_space<vmem_shared>>) offsets(%dma_start3A_161 : memref<125xi32, #tpu.memory_space<vmem>>) semaphore(%run_scoped3A : memref<!tpu.dma_semaphore, #tpu.memory_space<semaphore_mem>>) {add = true}
        %dma_wait3A_165 = arith.constant 0 : i32
        %dma_wait3A_166 = tpu.memref_slice %arg12[%add3A_151, %dma_wait3A_165] : memref<16x125xi32, #tpu.memory_space<vmem>> -> memref<1x125xi32, #tpu.memory_space<vmem>>
        %dma_wait3A_167 = tpu.memref_squeeze %dma_wait3A_166 : memref<1x125xi32, #tpu.memory_space<vmem>> -> memref<125xi32, #tpu.memory_space<vmem>>
        %dma_wait3A_168 = arith.constant 0 : i32
        %dma_wait3A_169 = arith.constant 0 : i32
        %dma_wait3A_170 = tpu.memref_slice %arg15[%dma_wait3A_168, %dma_wait3A_169] : memref<10000x128xf32, #tpu.memory_space<vmem_shared>> -> memref<10000x128xf32, #tpu.memory_space<vmem_shared>>
        tpu.wait_indirect_dma semaphore(%run_scoped3A : memref<!tpu.dma_semaphore, #tpu.memory_space<semaphore_mem>>) src(%arg14 : memref<125x128xf32, #tpu.memory_space<vmem>>) dst(%dma_wait3A_170 : memref<10000x128xf32, #tpu.memory_space<vmem_shared>>)
        tpu.yield
      }) : () -> ()
      "tpu.region"() ({
        %run_scoped3A = tpu.sem_alloc : memref<!tpu.dma_semaphore, #tpu.memory_space<semaphore_mem>>
        %dma_start3A_159 = arith.constant 0 : i32
        %dma_start3A_160 = tpu.memref_slice %arg12[%add3A_151, %dma_start3A_159] : memref<16x125xi32, #tpu.memory_space<vmem>> -> memref<1x125xi32, #tpu.memory_space<vmem>>
        %dma_start3A_161 = tpu.memref_squeeze %dma_start3A_160 : memref<1x125xi32, #tpu.memory_space<vmem>> -> memref<125xi32, #tpu.memory_space<vmem>>
        %dma_start3A_162 = arith.constant 0 : i32
        %dma_start3A_163 = arith.constant 0 : i32
        %dma_start3A_164 = tpu.memref_slice %arg19[%dma_start3A_162, %dma_start3A_163] : memref<10000x16xf32, #tpu.memory_space<vmem_shared>> -> memref<10000x16xf32, #tpu.memory_space<vmem_shared>>
        tpu.enqueue_indirect_dma source(%arg18 : memref<125x16xf32, #tpu.memory_space<vmem>>) target(%dma_start3A_164 : memref<10000x16xf32, #tpu.memory_space<vmem_shared>>) offsets(%dma_start3A_161 : memref<125xi32, #tpu.memory_space<vmem>>) semaphore(%run_scoped3A : memref<!tpu.dma_semaphore, #tpu.memory_space<semaphore_mem>>) {add = true}
        %dma_wait3A_165 = arith.constant 0 : i32
        %dma_wait3A_166 = tpu.memref_slice %arg12[%add3A_151, %dma_wait3A_165] : memref<16x125xi32, #tpu.memory_space<vmem>> -> memref<1x125xi32, #tpu.memory_space<vmem>>
        %dma_wait3A_167 = tpu.memref_squeeze %dma_wait3A_166 : memref<1x125xi32, #tpu.memory_space<vmem>> -> memref<125xi32, #tpu.memory_space<vmem>>
        %dma_wait3A_168 = arith.constant 0 : i32
        %dma_wait3A_169 = arith.constant 0 : i32
        %dma_wait3A_170 = tpu.memref_slice %arg19[%dma_wait3A_168, %dma_wait3A_169] : memref<10000x16xf32, #tpu.memory_space<vmem_shared>> -> memref<10000x16xf32, #tpu.memory_space<vmem_shared>>
        tpu.wait_indirect_dma semaphore(%run_scoped3A : memref<!tpu.dma_semaphore, #tpu.memory_space<semaphore_mem>>) src(%arg18 : memref<125x16xf32, #tpu.memory_space<vmem>>) dst(%dma_wait3A_170 : memref<10000x16xf32, #tpu.memory_space<vmem_shared>>)
        tpu.yield
      }) : () -> ()
    }
    %scan3A_36 = arith.constant 40 : i32
    %barrier3A_37 = arith.constant 0 : index
    tpu.barrier barrier_id(%barrier3A_37)
    "tpu.region"() ({
      %run_scoped3A = tpu.sem_alloc : memref<!tpu.dma_semaphore, #tpu.memory_space<semaphore_mem>>
      %dma_start3A_38 = arith.constant 0 : i32
      %dma_start3A_39 = tpu.memref_slice %arg8[%arg0, %mul3A_2, %dma_start3A_38] : memref<2x10000x128xf32, #tpu.memory_space<hbm>> -> memref<1x625x128xf32, #tpu.memory_space<hbm>>
      %dma_start3A_40 = tpu.memref_squeeze %dma_start3A_39 : memref<1x625x128xf32, #tpu.memory_space<hbm>> -> memref<625x128xf32, #tpu.memory_space<hbm>>
      %dma_start3A_41 = arith.constant 0 : i32
      %dma_start3A_42 = tpu.memref_slice %arg15[%mul3A_2, %dma_start3A_41] : memref<10000x128xf32, #tpu.memory_space<vmem_shared>> -> memref<625x128xf32, #tpu.memory_space<vmem_shared>>
      tpu.enqueue_dma source(%dma_start3A_42 : memref<625x128xf32, #tpu.memory_space<vmem_shared>>) target(%dma_start3A_40 : memref<625x128xf32, #tpu.memory_space<hbm>>) target_semaphore(%run_scoped3A : memref<!tpu.dma_semaphore, #tpu.memory_space<semaphore_mem>>)
      %dma_wait3A_43 = arith.constant 0 : i32
      %dma_wait3A_44 = tpu.memref_slice %arg8[%arg0, %mul3A_2, %dma_wait3A_43] : memref<2x10000x128xf32, #tpu.memory_space<hbm>> -> memref<1x625x128xf32, #tpu.memory_space<hbm>>
      %dma_wait3A_45 = tpu.memref_squeeze %dma_wait3A_44 : memref<1x625x128xf32, #tpu.memory_space<hbm>> -> memref<625x128xf32, #tpu.memory_space<hbm>>
      %dma_wait3A_46 = arith.constant 0 : i32
      %dma_wait3A_47 = tpu.memref_slice %arg15[%mul3A_2, %dma_wait3A_46] : memref<10000x128xf32, #tpu.memory_space<vmem_shared>> -> memref<625x128xf32, #tpu.memory_space<vmem_shared>>
      tpu.wait_dma2 semaphore(%run_scoped3A : memref<!tpu.dma_semaphore, #tpu.memory_space<semaphore_mem>>) src(%dma_wait3A_47 : memref<625x128xf32, #tpu.memory_space<vmem_shared>>) dst(%dma_wait3A_45 : memref<625x128xf32, #tpu.memory_space<hbm>>)
      tpu.yield
    }) : () -> ()
    "tpu.region"() ({
      %run_scoped3A = tpu.sem_alloc : memref<!tpu.dma_semaphore, #tpu.memory_space<semaphore_mem>>
      %dma_start3A_38 = arith.constant 0 : i32
      %dma_start3A_39 = tpu.memref_slice %arg9[%arg0, %mul3A_2, %dma_start3A_38] : memref<2x10000x16xf32, #tpu.memory_space<hbm>> -> memref<1x625x16xf32, #tpu.memory_space<hbm>>
      %dma_start3A_40 = tpu.memref_squeeze %dma_start3A_39 : memref<1x625x16xf32, #tpu.memory_space<hbm>> -> memref<625x16xf32, #tpu.memory_space<hbm>>
      %dma_start3A_41 = arith.constant 0 : i32
      %dma_start3A_42 = tpu.memref_slice %arg19[%mul3A_2, %dma_start3A_41] : memref<10000x16xf32, #tpu.memory_space<vmem_shared>> -> memref<625x16xf32, #tpu.memory_space<vmem_shared>>
      tpu.enqueue_dma source(%dma_start3A_42 : memref<625x16xf32, #tpu.memory_space<vmem_shared>>) target(%dma_start3A_40 : memref<625x16xf32, #tpu.memory_space<hbm>>) target_semaphore(%run_scoped3A : memref<!tpu.dma_semaphore, #tpu.memory_space<semaphore_mem>>)
      %dma_wait3A_43 = arith.constant 0 : i32
      %dma_wait3A_44 = tpu.memref_slice %arg9[%arg0, %mul3A_2, %dma_wait3A_43] : memref<2x10000x16xf32, #tpu.memory_space<hbm>> -> memref<1x625x16xf32, #tpu.memory_space<hbm>>
      %dma_wait3A_45 = tpu.memref_squeeze %dma_wait3A_44 : memref<1x625x16xf32, #tpu.memory_space<hbm>> -> memref<625x16xf32, #tpu.memory_space<hbm>>
      %dma_wait3A_46 = arith.constant 0 : i32
      %dma_wait3A_47 = tpu.memref_slice %arg19[%mul3A_2, %dma_wait3A_46] : memref<10000x16xf32, #tpu.memory_space<vmem_shared>> -> memref<625x16xf32, #tpu.memory_space<vmem_shared>>
      tpu.wait_dma2 semaphore(%run_scoped3A : memref<!tpu.dma_semaphore, #tpu.memory_space<semaphore_mem>>) src(%dma_wait3A_47 : memref<625x16xf32, #tpu.memory_space<vmem_shared>>) dst(%dma_wait3A_45 : memref<625x16xf32, #tpu.memory_space<hbm>>)
      tpu.yield
    }) : () -> ()
    return
  }
}

module attributes {stable_mosaic.version = 14 : i64} {
  func.func @_tc0_body(%arg0: i32, %arg1: memref<1000x128xf32, #tpu.memory_space<vmem>>, %arg2: memref<128x256xf32, #tpu.memory_space<vmem>>, %arg3: memref<1x256xf32, #tpu.memory_space<vmem>>, %arg4: memref<1000x256xf32, #tpu.memory_space<vmem>>) attributes {dimension_semantics = [#tpu.dimension_semantics<arbitrary>], iteration_bounds = array<i64: 10>, scalar_prefetch = 0 : i64, scratch_operands = 0 : i64, tpu.core_type = #tpu.core_type<tc>, window_params = [{transform_indices = @transform_0, window_bounds = array<i64: 1000, 128>}, {pipeline_mode = #tpu.pipeline_mode<synchronous>, transform_indices = @transform_1, window_bounds = array<i64: 128, 256>}, {pipeline_mode = #tpu.pipeline_mode<synchronous>, transform_indices = @transform_2, window_bounds = array<i64: 1, 256>}, {transform_indices = @transform_3, window_bounds = array<i64: 1000, 256>}]} {
    %get3A = arith.constant 0 : index
    %get3A_0 = arith.constant 0 : index
    %get3A_1 = vector.load %arg1[%get3A, %get3A_0] : memref<1000x128xf32, #tpu.memory_space<vmem>>, vector<1000x128xf32>
    %get3A_2 = arith.constant 0 : index
    %get3A_3 = arith.constant 0 : index
    %get3A_4 = vector.load %arg2[%get3A_2, %get3A_3] : memref<128x256xf32, #tpu.memory_space<vmem>>, vector<128x256xf32>
    %dot_general3A = arith.constant dense<0.000000e+00> : vector<1000x256xf32>
    %dot_general3A_5 = tpu.matmul %get3A_1, %get3A_4, %dot_general3A {dimension_numbers = #tpu.dot_dimension_numbers<[1], [0], [0], [1], [0, 0, 1, 1], [], []>, transpose_lhs_hint = false} : vector<1000x128xf32>, vector<128x256xf32>, vector<1000x256xf32> -> vector<1000x256xf32>
    %get3A_6 = arith.constant 0 : index
    %get3A_7 = arith.constant 0 : index
    %get3A_8 = vector.load %arg3[%get3A_6, %get3A_7] : memref<1x256xf32, #tpu.memory_space<vmem>>, vector<1x256xf32>
    %add3A = vector.broadcast %get3A_8 : vector<1x256xf32> to vector<1000x256xf32>
    %add3A_9 = arith.addf %dot_general3A_5, %add3A : vector<1000x256xf32>
    %swap3A = arith.constant 0 : index
    %swap3A_10 = arith.constant 0 : index
    %swap3A_11 = vector.load %arg4[%swap3A, %swap3A_10] : memref<1000x256xf32, #tpu.memory_space<vmem>>, vector<1000x256xf32>
    tpu.vector_store %arg4[%swap3A, %swap3A_10], %add3A_9 {strides = array<i32>} : memref<1000x256xf32, #tpu.memory_space<vmem>>, vector<1000x256xf32>,
    return
  }
  func.func @transform_0(%arg0: i32) -> (i32, i32) {
    %c0_i32 = arith.constant 0 : i32
    %c0_i32_0 = arith.constant 0 : i32
    return %arg0, %c0_i32 : i32, i32
  }
  func.func @transform_1(%arg0: i32) -> (i32, i32) {
    %c0_i32 = arith.constant 0 : i32
    %c0_i32_0 = arith.constant 0 : i32
    %c0_i32_1 = arith.constant 0 : i32
    return %c0_i32, %c0_i32_0 : i32, i32
  }
  func.func @transform_2(%arg0: i32) -> (i32, i32) {
    %c0_i32 = arith.constant 0 : i32
    %c0_i32_0 = arith.constant 0 : i32
    %c0_i32_1 = arith.constant 0 : i32
    return %c0_i32, %c0_i32_0 : i32, i32
  }
  func.func @transform_3(%arg0: i32) -> (i32, i32) {
    %c0_i32 = arith.constant 0 : i32
    %c0_i32_0 = arith.constant 0 : i32
    return %arg0, %c0_i32 : i32, i32
  }
}

module attributes {stable_mosaic.version = 14 : i64} {
  func.func @_tc2a_body(%arg0: i32, %arg1: memref<1000x256xf32, #tpu.memory_space<vmem>>, %arg2: memref<2x256xf32, #tpu.memory_space<vmem>>, %arg3: memref<1x256xf32, #tpu.memory_space<vmem>>, %arg4: memref<1x256xf32, #tpu.memory_space<vmem>>, %arg5: memref<256x128xf32, #tpu.memory_space<vmem>>, %arg6: memref<1000x128xf32, #tpu.memory_space<vmem>>) attributes {dimension_semantics = [#tpu.dimension_semantics<arbitrary>], iteration_bounds = array<i64: 10>, scalar_prefetch = 0 : i64, scratch_operands = 0 : i64, tpu.core_type = #tpu.core_type<tc>, window_params = [{transform_indices = @transform_0, window_bounds = array<i64: 1000, 256>}, {pipeline_mode = #tpu.pipeline_mode<synchronous>, transform_indices = @transform_1, window_bounds = array<i64: 2, 256>}, {pipeline_mode = #tpu.pipeline_mode<synchronous>, transform_indices = @transform_2, window_bounds = array<i64: 1, 256>}, {pipeline_mode = #tpu.pipeline_mode<synchronous>, transform_indices = @transform_3, window_bounds = array<i64: 1, 256>}, {pipeline_mode = #tpu.pipeline_mode<synchronous>, transform_indices = @transform_4, window_bounds = array<i64: 256, 128>}, {transform_indices = @transform_5, window_bounds = array<i64: 1000, 128>}]} {
    %get3A = arith.constant 0 : index
    %get3A_0 = arith.constant 0 : index
    %get3A_1 = vector.load %arg2[%get3A, %get3A_0] : memref<2x256xf32, #tpu.memory_space<vmem>>, vector<2x256xf32>
    %slice3A = vector.extract_strided_slice %get3A_1 {offsets = [0, 0], sizes = [1, 256], strides = [1, 1]} : vector<2x256xf32> to vector<1x256xf32>
    %mul3A = arith.constant 9.99999974E-5 : f32
    %mul3A_2 = vector.broadcast %mul3A : f32 to vector<1x256xf32>
    %mul3A_3 = arith.mulf %slice3A, %mul3A_2 : vector<1x256xf32>
    %slice3A_4 = vector.extract_strided_slice %get3A_1 {offsets = [1, 0], sizes = [1, 256], strides = [1, 1]} : vector<2x256xf32> to vector<1x256xf32>
    %mul3A_5 = arith.constant 9.99999974E-5 : f32
    %mul3A_6 = vector.broadcast %mul3A_5 : f32 to vector<1x256xf32>
    %mul3A_7 = arith.mulf %slice3A_4, %mul3A_6 : vector<1x256xf32>
    %mul3A_8 = arith.mulf %mul3A_3, %mul3A_3 : vector<1x256xf32>
    %sub3A = arith.subf %mul3A_7, %mul3A_8 : vector<1x256xf32>
    %get3A_9 = arith.constant 0 : index
    %get3A_10 = arith.constant 0 : index
    %get3A_11 = vector.load %arg3[%get3A_9, %get3A_10] : memref<1x256xf32, #tpu.memory_space<vmem>>, vector<1x256xf32>
    %add3A = arith.constant 9.99999974E-6 : f32
    %add3A_12 = vector.broadcast %add3A : f32 to vector<1x256xf32>
    %add3A_13 = arith.addf %sub3A, %add3A_12 : vector<1x256xf32>
    %rsqrt3A = math.rsqrt %add3A_13 : vector<1x256xf32>
    %mul3A_14 = arith.mulf %get3A_11, %rsqrt3A : vector<1x256xf32>
    %get3A_15 = arith.constant 0 : index
    %get3A_16 = arith.constant 0 : index
    %get3A_17 = vector.load %arg1[%get3A_15, %get3A_16] : memref<1000x256xf32, #tpu.memory_space<vmem>>, vector<1000x256xf32>
    %sub3A_18 = vector.broadcast %mul3A_3 : vector<1x256xf32> to vector<1000x256xf32>
    %sub3A_19 = arith.subf %get3A_17, %sub3A_18 : vector<1000x256xf32>
    %mul3A_20 = vector.broadcast %mul3A_14 : vector<1x256xf32> to vector<1000x256xf32>
    %mul3A_21 = arith.mulf %sub3A_19, %mul3A_20 : vector<1000x256xf32>
    %get3A_22 = arith.constant 0 : index
    %get3A_23 = arith.constant 0 : index
    %get3A_24 = vector.load %arg4[%get3A_22, %get3A_23] : memref<1x256xf32, #tpu.memory_space<vmem>>, vector<1x256xf32>
    %add3A_25 = vector.broadcast %get3A_24 : vector<1x256xf32> to vector<1000x256xf32>
    %add3A_26 = arith.addf %mul3A_21, %add3A_25 : vector<1000x256xf32>
    %max3A = arith.constant 0.000000e+00 : f32
    %max3A_27 = vector.broadcast %max3A : f32 to vector<1000x256xf32>
    %max3A_28 = arith.maximumf %add3A_26, %max3A_27 : vector<1000x256xf32>
    %get3A_29 = arith.constant 0 : index
    %get3A_30 = arith.constant 0 : index
    %get3A_31 = vector.load %arg5[%get3A_29, %get3A_30] : memref<256x128xf32, #tpu.memory_space<vmem>>, vector<256x128xf32>
    %dot_general3A = arith.constant dense<0.000000e+00> : vector<1000x128xf32>
    %dot_general3A_32 = tpu.matmul %max3A_28, %get3A_31, %dot_general3A {dimension_numbers = #tpu.dot_dimension_numbers<[1], [0], [0], [1], [0, 0, 1, 1], [], []>, transpose_lhs_hint = false} : vector<1000x256xf32>, vector<256x128xf32>, vector<1000x128xf32> -> vector<1000x128xf32>
    %swap3A = arith.constant 0 : index
    %swap3A_33 = arith.constant 0 : index
    %swap3A_34 = vector.load %arg6[%swap3A, %swap3A_33] : memref<1000x128xf32, #tpu.memory_space<vmem>>, vector<1000x128xf32>
    tpu.vector_store %arg6[%swap3A, %swap3A_33], %dot_general3A_32 {strides = array<i32>} : memref<1000x128xf32, #tpu.memory_space<vmem>>, vector<1000x128xf32>,
    return
  }
  func.func @transform_0(%arg0: i32) -> (i32, i32) {
    %c0_i32 = arith.constant 0 : i32
    %c0_i32_0 = arith.constant 0 : i32
    return %arg0, %c0_i32 : i32, i32
  }
  func.func @transform_1(%arg0: i32) -> (i32, i32) {
    %c0_i32 = arith.constant 0 : i32
    %c0_i32_0 = arith.constant 0 : i32
    %c0_i32_1 = arith.constant 0 : i32
    return %c0_i32, %c0_i32_0 : i32, i32
  }
  func.func @transform_2(%arg0: i32) -> (i32, i32) {
    %c0_i32 = arith.constant 0 : i32
    %c0_i32_0 = arith.constant 0 : i32
    %c0_i32_1 = arith.constant 0 : i32
    return %c0_i32, %c0_i32_0 : i32, i32
  }
  func.func @transform_3(%arg0: i32) -> (i32, i32) {
    %c0_i32 = arith.constant 0 : i32
    %c0_i32_0 = arith.constant 0 : i32
    %c0_i32_1 = arith.constant 0 : i32
    return %c0_i32, %c0_i32_0 : i32, i32
  }
  func.func @transform_4(%arg0: i32) -> (i32, i32) {
    %c0_i32 = arith.constant 0 : i32
    %c0_i32_0 = arith.constant 0 : i32
    %c0_i32_1 = arith.constant 0 : i32
    return %c0_i32, %c0_i32_0 : i32, i32
  }
  func.func @transform_5(%arg0: i32) -> (i32, i32) {
    %c0_i32 = arith.constant 0 : i32
    %c0_i32_0 = arith.constant 0 : i32
    return %arg0, %c0_i32 : i32, i32
  }
}

module attributes {stable_mosaic.version = 14 : i64} {
  func.func @_tc1_body(%arg0: i32, %arg1: memref<2x1000x128xf32, #tpu.memory_space<vmem>>, %arg2: memref<2x1000x16xf32, #tpu.memory_space<vmem>>, %arg3: memref<1000x256xf32, #tpu.memory_space<vmem>>, %arg4: memref<128x256xf32, #tpu.memory_space<vmem>>, %arg5: memref<1000x256xf32, #tpu.memory_space<vmem>>, %arg6: memref<2x256xf32, #tpu.memory_space<vmem>>) attributes {dimension_semantics = [#tpu.dimension_semantics<arbitrary>], iteration_bounds = array<i64: 10>, scalar_prefetch = 0 : i64, scratch_operands = 0 : i64, tpu.core_type = #tpu.core_type<tc>, window_params = [{transform_indices = @transform_0, window_bounds = array<i64: 2, 1000, 128>}, {transform_indices = @transform_1, window_bounds = array<i64: 2, 1000, 16>}, {transform_indices = @transform_2, window_bounds = array<i64: 1000, 256>}, {pipeline_mode = #tpu.pipeline_mode<synchronous>, transform_indices = @transform_3, window_bounds = array<i64: 128, 256>}, {transform_indices = @transform_4, window_bounds = array<i64: 1000, 256>}, {pipeline_mode = #tpu.pipeline_mode<synchronous>, transform_indices = @transform_5, window_bounds = array<i64: 2, 256>}]} {
    %get3A = arith.constant 0 : index
    %get3A_0 = arith.constant 0 : index
    %get3A_1 = arith.constant 0 : index
    %get3A_2 = vector.load %arg2[%get3A, %get3A_0, %get3A_1] : memref<2x1000x16xf32, #tpu.memory_space<vmem>>, vector<1x1000x1xf32>
    %get3A_3 = vector.shape_cast %get3A_2 : vector<1x1000x1xf32> to vector<1000x1xf32>
    %get3A_4 = arith.constant 1 : index
    %get3A_5 = arith.constant 0 : index
    %get3A_6 = arith.constant 0 : index
    %get3A_7 = vector.load %arg2[%get3A_4, %get3A_5, %get3A_6] : memref<2x1000x16xf32, #tpu.memory_space<vmem>>, vector<1x1000x1xf32>
    %get3A_8 = vector.shape_cast %get3A_7 : vector<1x1000x1xf32> to vector<1000x1xf32>
    %add3A = arith.addf %get3A_3, %get3A_8 : vector<1000x1xf32>
    %max3A = arith.constant 1.000000e+00 : f32
    %max3A_9 = vector.broadcast %max3A : f32 to vector<1000x1xf32>
    %max3A_10 = arith.maximumf %add3A, %max3A_9 : vector<1000x1xf32>
    %get3A_11 = arith.constant 0 : index
    %get3A_12 = arith.constant 0 : index
    %get3A_13 = arith.constant 0 : index
    %get3A_14 = vector.load %arg1[%get3A_11, %get3A_12, %get3A_13] : memref<2x1000x128xf32, #tpu.memory_space<vmem>>, vector<1x1000x128xf32>
    %get3A_15 = vector.shape_cast %get3A_14 : vector<1x1000x128xf32> to vector<1000x128xf32>
    %get3A_16 = arith.constant 1 : index
    %get3A_17 = arith.constant 0 : index
    %get3A_18 = arith.constant 0 : index
    %get3A_19 = vector.load %arg1[%get3A_16, %get3A_17, %get3A_18] : memref<2x1000x128xf32, #tpu.memory_space<vmem>>, vector<1x1000x128xf32>
    %get3A_20 = vector.shape_cast %get3A_19 : vector<1x1000x128xf32> to vector<1000x128xf32>
    %add3A_21 = arith.addf %get3A_15, %get3A_20 : vector<1000x128xf32>
    %div3A = vector.broadcast %max3A_10 : vector<1000x1xf32> to vector<1000x128xf32>
    %div3A_22 = arith.divf %add3A_21, %div3A : vector<1000x128xf32>
    %get3A_23 = arith.constant 0 : index
    %get3A_24 = arith.constant 0 : index
    %get3A_25 = vector.load %arg4[%get3A_23, %get3A_24] : memref<128x256xf32, #tpu.memory_space<vmem>>, vector<128x256xf32>
    %dot_general3A = arith.constant dense<0.000000e+00> : vector<1000x256xf32>
    %dot_general3A_26 = tpu.matmul %div3A_22, %get3A_25, %dot_general3A {dimension_numbers = #tpu.dot_dimension_numbers<[1], [0], [0], [1], [0, 0, 1, 1], [], []>, transpose_lhs_hint = false} : vector<1000x128xf32>, vector<128x256xf32>, vector<1000x256xf32> -> vector<1000x256xf32>
    %get3A_27 = arith.constant 0 : index
    %get3A_28 = arith.constant 0 : index
    %get3A_29 = vector.load %arg3[%get3A_27, %get3A_28] : memref<1000x256xf32, #tpu.memory_space<vmem>>, vector<1000x256xf32>
    %add3A_30 = arith.addf %dot_general3A_26, %get3A_29 : vector<1000x256xf32>
    %swap3A = arith.constant 0 : index
    %swap3A_31 = arith.constant 0 : index
    %swap3A_32 = vector.load %arg5[%swap3A, %swap3A_31] : memref<1000x256xf32, #tpu.memory_space<vmem>>, vector<1000x256xf32>
    tpu.vector_store %arg5[%swap3A, %swap3A_31], %add3A_30 {strides = array<i32>} : memref<1000x256xf32, #tpu.memory_space<vmem>>, vector<1000x256xf32>,
    %reduce_sum3A = arith.constant dense<0.000000e+00> : vector<256xf32>
    %reduce_sum3A_33 = vector.multi_reduction <add>, %add3A_30, %reduce_sum3A [0] : vector<1000x256xf32> to vector<256xf32>
    %broadcast_in_dim3A = vector.shape_cast %reduce_sum3A_33 : vector<256xf32> to vector<1x256xf32>
    %mul3A = arith.mulf %add3A_30, %add3A_30 : vector<1000x256xf32>
    %reduce_sum3A_34 = arith.constant dense<0.000000e+00> : vector<256xf32>
    %reduce_sum3A_35 = vector.multi_reduction <add>, %mul3A, %reduce_sum3A_34 [0] : vector<1000x256xf32> to vector<256xf32>
    %broadcast_in_dim3A_36 = vector.shape_cast %reduce_sum3A_35 : vector<256xf32> to vector<1x256xf32>
    %concatenate3A = tpu.concatenate %broadcast_in_dim3A, %broadcast_in_dim3A_36 in 0 : vector<1x256xf32>, vector<1x256xf32> -> vector<2x256xf32>
    %eq3A = arith.constant 0 : i32
    %eq3A_37 = arith.cmpi eq, %arg0, %eq3A : i32
    %convert_element_type3A = arith.extui %eq3A_37 : i1 to i32
    %cond3A = arith.constant 0 : i32
    %cond3A_38 = arith.cmpi ne, %convert_element_type3A, %cond3A : i32
    scf.if %cond3A_38 {
      %swap3A_43 = arith.constant 0 : index
      %swap3A_44 = arith.constant 0 : index
      %swap3A_45 = vector.load %arg6[%swap3A_43, %swap3A_44] : memref<2x256xf32, #tpu.memory_space<vmem>>, vector<2x256xf32>
      tpu.vector_store %arg6[%swap3A_43, %swap3A_44], %concatenate3A {strides = array<i32>} : memref<2x256xf32, #tpu.memory_space<vmem>>, vector<2x256xf32>,
    } else {
    }
    %ne3A = arith.constant 0 : i32
    %ne3A_39 = arith.cmpi ne, %arg0, %ne3A : i32
    %convert_element_type3A_40 = arith.extui %ne3A_39 : i1 to i32
    %cond3A_41 = arith.constant 0 : i32
    %cond3A_42 = arith.cmpi ne, %convert_element_type3A_40, %cond3A_41 : i32
    scf.if %cond3A_42 {
      %get3A_43 = arith.constant 0 : index
      %get3A_44 = arith.constant 0 : index
      %get3A_45 = vector.load %arg6[%get3A_43, %get3A_44] : memref<2x256xf32, #tpu.memory_space<vmem>>, vector<2x256xf32>
      %add3A_46 = arith.addf %get3A_45, %concatenate3A : vector<2x256xf32>
      %swap3A_47 = arith.constant 0 : index
      %swap3A_48 = arith.constant 0 : index
      %swap3A_49 = vector.load %arg6[%swap3A_47, %swap3A_48] : memref<2x256xf32, #tpu.memory_space<vmem>>, vector<2x256xf32>
      tpu.vector_store %arg6[%swap3A_47, %swap3A_48], %add3A_46 {strides = array<i32>} : memref<2x256xf32, #tpu.memory_space<vmem>>, vector<2x256xf32>,
    } else {
    }
    return
  }
  func.func @transform_0(%arg0: i32) -> (i32, i32, i32) {
    %c0_i32 = arith.constant 0 : i32
    %c0_i32_0 = arith.constant 0 : i32
    %c0_i32_1 = arith.constant 0 : i32
    return %c0_i32, %arg0, %c0_i32_0 : i32, i32, i32
  }
  func.func @transform_1(%arg0: i32) -> (i32, i32, i32) {
    %c0_i32 = arith.constant 0 : i32
    %c0_i32_0 = arith.constant 0 : i32
    %c0_i32_1 = arith.constant 0 : i32
    return %c0_i32, %arg0, %c0_i32_0 : i32, i32, i32
  }
  func.func @transform_2(%arg0: i32) -> (i32, i32) {
    %c0_i32 = arith.constant 0 : i32
    %c0_i32_0 = arith.constant 0 : i32
    return %arg0, %c0_i32 : i32, i32
  }
  func.func @transform_3(%arg0: i32) -> (i32, i32) {
    %c0_i32 = arith.constant 0 : i32
    %c0_i32_0 = arith.constant 0 : i32
    %c0_i32_1 = arith.constant 0 : i32
    return %c0_i32, %c0_i32_0 : i32, i32
  }
  func.func @transform_4(%arg0: i32) -> (i32, i32) {
    %c0_i32 = arith.constant 0 : i32
    %c0_i32_0 = arith.constant 0 : i32
    return %arg0, %c0_i32 : i32, i32
  }
  func.func @transform_5(%arg0: i32) -> (i32, i32) {
    %c0_i32 = arith.constant 0 : i32
    %c0_i32_0 = arith.constant 0 : i32
    %c0_i32_1 = arith.constant 0 : i32
    return %c0_i32, %c0_i32_0 : i32, i32
  }
}

module attributes {stable_mosaic.version = 14 : i64} {
  func.func @_tc2b_body(%arg0: i32, %arg1: memref<1000x256xf32, #tpu.memory_space<vmem>>, %arg2: memref<2x256xf32, #tpu.memory_space<vmem>>, %arg3: memref<1x256xf32, #tpu.memory_space<vmem>>, %arg4: memref<1x256xf32, #tpu.memory_space<vmem>>, %arg5: memref<256x128xf32, #tpu.memory_space<vmem>>, %arg6: memref<1x128xf32, #tpu.memory_space<vmem>>, %arg7: memref<1000x128xf32, #tpu.memory_space<vmem>>) attributes {dimension_semantics = [#tpu.dimension_semantics<arbitrary>], iteration_bounds = array<i64: 10>, scalar_prefetch = 0 : i64, scratch_operands = 0 : i64, tpu.core_type = #tpu.core_type<tc>, window_params = [{transform_indices = @transform_0, window_bounds = array<i64: 1000, 256>}, {pipeline_mode = #tpu.pipeline_mode<synchronous>, transform_indices = @transform_1, window_bounds = array<i64: 2, 256>}, {pipeline_mode = #tpu.pipeline_mode<synchronous>, transform_indices = @transform_2, window_bounds = array<i64: 1, 256>}, {pipeline_mode = #tpu.pipeline_mode<synchronous>, transform_indices = @transform_3, window_bounds = array<i64: 1, 256>}, {pipeline_mode = #tpu.pipeline_mode<synchronous>, transform_indices = @transform_4, window_bounds = array<i64: 256, 128>}, {pipeline_mode = #tpu.pipeline_mode<synchronous>, transform_indices = @transform_5, window_bounds = array<i64: 1, 128>}, {transform_indices = @transform_6, window_bounds = array<i64: 1000, 128>}]} {
    %get3A = arith.constant 0 : index
    %get3A_0 = arith.constant 0 : index
    %get3A_1 = vector.load %arg2[%get3A, %get3A_0] : memref<2x256xf32, #tpu.memory_space<vmem>>, vector<2x256xf32>
    %slice3A = vector.extract_strided_slice %get3A_1 {offsets = [0, 0], sizes = [1, 256], strides = [1, 1]} : vector<2x256xf32> to vector<1x256xf32>
    %mul3A = arith.constant 9.99999974E-5 : f32
    %mul3A_2 = vector.broadcast %mul3A : f32 to vector<1x256xf32>
    %mul3A_3 = arith.mulf %slice3A, %mul3A_2 : vector<1x256xf32>
    %slice3A_4 = vector.extract_strided_slice %get3A_1 {offsets = [1, 0], sizes = [1, 256], strides = [1, 1]} : vector<2x256xf32> to vector<1x256xf32>
    %mul3A_5 = arith.constant 9.99999974E-5 : f32
    %mul3A_6 = vector.broadcast %mul3A_5 : f32 to vector<1x256xf32>
    %mul3A_7 = arith.mulf %slice3A_4, %mul3A_6 : vector<1x256xf32>
    %mul3A_8 = arith.mulf %mul3A_3, %mul3A_3 : vector<1x256xf32>
    %sub3A = arith.subf %mul3A_7, %mul3A_8 : vector<1x256xf32>
    %get3A_9 = arith.constant 0 : index
    %get3A_10 = arith.constant 0 : index
    %get3A_11 = vector.load %arg3[%get3A_9, %get3A_10] : memref<1x256xf32, #tpu.memory_space<vmem>>, vector<1x256xf32>
    %add3A = arith.constant 9.99999974E-6 : f32
    %add3A_12 = vector.broadcast %add3A : f32 to vector<1x256xf32>
    %add3A_13 = arith.addf %sub3A, %add3A_12 : vector<1x256xf32>
    %rsqrt3A = math.rsqrt %add3A_13 : vector<1x256xf32>
    %mul3A_14 = arith.mulf %get3A_11, %rsqrt3A : vector<1x256xf32>
    %get3A_15 = arith.constant 0 : index
    %get3A_16 = arith.constant 0 : index
    %get3A_17 = vector.load %arg1[%get3A_15, %get3A_16] : memref<1000x256xf32, #tpu.memory_space<vmem>>, vector<1000x256xf32>
    %sub3A_18 = vector.broadcast %mul3A_3 : vector<1x256xf32> to vector<1000x256xf32>
    %sub3A_19 = arith.subf %get3A_17, %sub3A_18 : vector<1000x256xf32>
    %mul3A_20 = vector.broadcast %mul3A_14 : vector<1x256xf32> to vector<1000x256xf32>
    %mul3A_21 = arith.mulf %sub3A_19, %mul3A_20 : vector<1000x256xf32>
    %get3A_22 = arith.constant 0 : index
    %get3A_23 = arith.constant 0 : index
    %get3A_24 = vector.load %arg4[%get3A_22, %get3A_23] : memref<1x256xf32, #tpu.memory_space<vmem>>, vector<1x256xf32>
    %add3A_25 = vector.broadcast %get3A_24 : vector<1x256xf32> to vector<1000x256xf32>
    %add3A_26 = arith.addf %mul3A_21, %add3A_25 : vector<1000x256xf32>
    %max3A = arith.constant 0.000000e+00 : f32
    %max3A_27 = vector.broadcast %max3A : f32 to vector<1000x256xf32>
    %max3A_28 = arith.maximumf %add3A_26, %max3A_27 : vector<1000x256xf32>
    %get3A_29 = arith.constant 0 : index
    %get3A_30 = arith.constant 0 : index
    %get3A_31 = vector.load %arg5[%get3A_29, %get3A_30] : memref<256x128xf32, #tpu.memory_space<vmem>>, vector<256x128xf32>
    %dot_general3A = arith.constant dense<0.000000e+00> : vector<1000x128xf32>
    %dot_general3A_32 = tpu.matmul %max3A_28, %get3A_31, %dot_general3A {dimension_numbers = #tpu.dot_dimension_numbers<[1], [0], [0], [1], [0, 0, 1, 1], [], []>, transpose_lhs_hint = false} : vector<1000x256xf32>, vector<256x128xf32>, vector<1000x128xf32> -> vector<1000x128xf32>
    %get3A_33 = arith.constant 0 : index
    %get3A_34 = arith.constant 0 : index
    %get3A_35 = vector.load %arg6[%get3A_33, %get3A_34] : memref<1x128xf32, #tpu.memory_space<vmem>>, vector<1x128xf32>
    %add3A_36 = vector.broadcast %get3A_35 : vector<1x128xf32> to vector<1000x128xf32>
    %add3A_37 = arith.addf %dot_general3A_32, %add3A_36 : vector<1000x128xf32>
    %swap3A = arith.constant 0 : index
    %swap3A_38 = arith.constant 0 : index
    %swap3A_39 = vector.load %arg7[%swap3A, %swap3A_38] : memref<1000x128xf32, #tpu.memory_space<vmem>>, vector<1000x128xf32>
    tpu.vector_store %arg7[%swap3A, %swap3A_38], %add3A_37 {strides = array<i32>} : memref<1000x128xf32, #tpu.memory_space<vmem>>, vector<1000x128xf32>,
    return
  }
  func.func @transform_0(%arg0: i32) -> (i32, i32) {
    %c0_i32 = arith.constant 0 : i32
    %c0_i32_0 = arith.constant 0 : i32
    return %arg0, %c0_i32 : i32, i32
  }
  func.func @transform_1(%arg0: i32) -> (i32, i32) {
    %c0_i32 = arith.constant 0 : i32
    %c0_i32_0 = arith.constant 0 : i32
    %c0_i32_1 = arith.constant 0 : i32
    return %c0_i32, %c0_i32_0 : i32, i32
  }
  func.func @transform_2(%arg0: i32) -> (i32, i32) {
    %c0_i32 = arith.constant 0 : i32
    %c0_i32_0 = arith.constant 0 : i32
    %c0_i32_1 = arith.constant 0 : i32
    return %c0_i32, %c0_i32_0 : i32, i32
  }
  func.func @transform_3(%arg0: i32) -> (i32, i32) {
    %c0_i32 = arith.constant 0 : i32
    %c0_i32_0 = arith.constant 0 : i32
    %c0_i32_1 = arith.constant 0 : i32
    return %c0_i32, %c0_i32_0 : i32, i32
  }
  func.func @transform_4(%arg0: i32) -> (i32, i32) {
    %c0_i32 = arith.constant 0 : i32
    %c0_i32_0 = arith.constant 0 : i32
    %c0_i32_1 = arith.constant 0 : i32
    return %c0_i32, %c0_i32_0 : i32, i32
  }
  func.func @transform_5(%arg0: i32) -> (i32, i32) {
    %c0_i32 = arith.constant 0 : i32
    %c0_i32_0 = arith.constant 0 : i32
    %c0_i32_1 = arith.constant 0 : i32
    return %c0_i32, %c0_i32_0 : i32, i32
  }
  func.func @transform_6(%arg0: i32) -> (i32, i32) {
    %c0_i32 = arith.constant 0 : i32
    %c0_i32_0 = arith.constant 0 : i32
    return %arg0, %c0_i32 : i32, i32
  }
}

module attributes {stable_mosaic.version = 14 : i64} {
  func.func @_tc3_body(%arg0: i32, %arg1: memref<2x1000x128xf32, #tpu.memory_space<vmem>>, %arg2: memref<2x1000x16xf32, #tpu.memory_space<vmem>>, %arg3: memref<1000x128xf32, #tpu.memory_space<vmem>>, %arg4: memref<1000x128xf32, #tpu.memory_space<vmem>>) attributes {dimension_semantics = [#tpu.dimension_semantics<arbitrary>], iteration_bounds = array<i64: 10>, scalar_prefetch = 0 : i64, scratch_operands = 0 : i64, tpu.core_type = #tpu.core_type<tc>, window_params = [{transform_indices = @transform_0, window_bounds = array<i64: 2, 1000, 128>}, {transform_indices = @transform_1, window_bounds = array<i64: 2, 1000, 16>}, {transform_indices = @transform_2, window_bounds = array<i64: 1000, 128>}, {transform_indices = @transform_3, window_bounds = array<i64: 1000, 128>}]} {
    %get3A = arith.constant 0 : index
    %get3A_0 = arith.constant 0 : index
    %get3A_1 = arith.constant 0 : index
    %get3A_2 = vector.load %arg2[%get3A, %get3A_0, %get3A_1] : memref<2x1000x16xf32, #tpu.memory_space<vmem>>, vector<1x1000x1xf32>
    %get3A_3 = vector.shape_cast %get3A_2 : vector<1x1000x1xf32> to vector<1000x1xf32>
    %get3A_4 = arith.constant 1 : index
    %get3A_5 = arith.constant 0 : index
    %get3A_6 = arith.constant 0 : index
    %get3A_7 = vector.load %arg2[%get3A_4, %get3A_5, %get3A_6] : memref<2x1000x16xf32, #tpu.memory_space<vmem>>, vector<1x1000x1xf32>
    %get3A_8 = vector.shape_cast %get3A_7 : vector<1x1000x1xf32> to vector<1000x1xf32>
    %add3A = arith.addf %get3A_3, %get3A_8 : vector<1000x1xf32>
    %max3A = arith.constant 1.000000e+00 : f32
    %max3A_9 = vector.broadcast %max3A : f32 to vector<1000x1xf32>
    %max3A_10 = arith.maximumf %add3A, %max3A_9 : vector<1000x1xf32>
    %get3A_11 = arith.constant 0 : index
    %get3A_12 = arith.constant 0 : index
    %get3A_13 = arith.constant 0 : index
    %get3A_14 = vector.load %arg1[%get3A_11, %get3A_12, %get3A_13] : memref<2x1000x128xf32, #tpu.memory_space<vmem>>, vector<1x1000x128xf32>
    %get3A_15 = vector.shape_cast %get3A_14 : vector<1x1000x128xf32> to vector<1000x128xf32>
    %get3A_16 = arith.constant 1 : index
    %get3A_17 = arith.constant 0 : index
    %get3A_18 = arith.constant 0 : index
    %get3A_19 = vector.load %arg1[%get3A_16, %get3A_17, %get3A_18] : memref<2x1000x128xf32, #tpu.memory_space<vmem>>, vector<1x1000x128xf32>
    %get3A_20 = vector.shape_cast %get3A_19 : vector<1x1000x128xf32> to vector<1000x128xf32>
    %add3A_21 = arith.addf %get3A_15, %get3A_20 : vector<1000x128xf32>
    %div3A = vector.broadcast %max3A_10 : vector<1000x1xf32> to vector<1000x128xf32>
    %div3A_22 = arith.divf %add3A_21, %div3A : vector<1000x128xf32>
    %get3A_23 = arith.constant 0 : index
    %get3A_24 = arith.constant 0 : index
    %get3A_25 = vector.load %arg3[%get3A_23, %get3A_24] : memref<1000x128xf32, #tpu.memory_space<vmem>>, vector<1000x128xf32>
    %add3A_26 = arith.addf %div3A_22, %get3A_25 : vector<1000x128xf32>
    %swap3A = arith.constant 0 : index
    %swap3A_27 = arith.constant 0 : index
    %swap3A_28 = vector.load %arg4[%swap3A, %swap3A_27] : memref<1000x128xf32, #tpu.memory_space<vmem>>, vector<1000x128xf32>
    tpu.vector_store %arg4[%swap3A, %swap3A_27], %add3A_26 {strides = array<i32>} : memref<1000x128xf32, #tpu.memory_space<vmem>>, vector<1000x128xf32>,
    return
  }
  func.func @transform_0(%arg0: i32) -> (i32, i32, i32) {
    %c0_i32 = arith.constant 0 : i32
    %c0_i32_0 = arith.constant 0 : i32
    %c0_i32_1 = arith.constant 0 : i32
    return %c0_i32, %arg0, %c0_i32_0 : i32, i32, i32
  }
  func.func @transform_1(%arg0: i32) -> (i32, i32, i32) {
    %c0_i32 = arith.constant 0 : i32
    %c0_i32_0 = arith.constant 0 : i32
    %c0_i32_1 = arith.constant 0 : i32
    return %c0_i32, %arg0, %c0_i32_0 : i32, i32, i32
  }
  func.func @transform_2(%arg0: i32) -> (i32, i32) {
    %c0_i32 = arith.constant 0 : i32
    %c0_i32_0 = arith.constant 0 : i32
    return %arg0, %c0_i32 : i32, i32
  }
  func.func @transform_3(%arg0: i32) -> (i32, i32) {
    %c0_i32 = arith.constant 0 : i32
    %c0_i32_0 = arith.constant 0 : i32
    return %arg0, %c0_i32 : i32, i32
  }
}

</mosaic_0001>

<sc_bundles>
// kernel: kernel.12.cloned.1.call-start
scs
__scs_entry_jumppad:
0x0: {  	(pc) =	sbr.rel $0x88, $3  }
0x1: {  	(tag) =	ssettag $0x0;
	lr =	simm.s32 $0x1  }
0x2: {  	[smem:$0x3F97] =	sst lr;
	_ =	strace $0xD0000000  }
0x3: {  	_ = 	snop  }
0x4: {  	_ = 	snop  }
0x5: {  	_ = 	snop  }
0x6: {  	_ = 	snop  }
0x7: {  	_ = 	snop  }
__scs_overlays_trampoline_lowered:
0x8: {  	[smem:$0x3FA6] =	sst s0  }
0x9: {  	[smem:$0x3FA7] =	sst s1  }
0xa: {  	[smem:$0x3FA8] =	sst s2  }
0xb: {  	[smem:$0x3FA9] =	sst s3  }
0xc: {  	[smem:$0x3FAA] =	sst s4  }
0xd: {  	[smem:$0x3FAB] =	sst s5  }
0xe: {  	[smem:$0x3FAC] =	sst s6  }
0xf: {  	[smem:$0x3FAD] =	sst s7  }
0x10: {  	[smem:$0x3FAE] =	sst s8  }
0x11: {  	[smem:$0x3FAF] =	sst s9;
	s0 =	simm.s32 @!p0 $0x0  }
0x12: {  	s1 =	sld [smem:$0x3F95];
	s0 =	simm.s32 @p0 $0x1  }
0x13: {  	[smem:$0x3FB0] =	sst s0;
	s0 =	simm.s32 @!p1 $0x0  }
0x14: {  	s2 =	sld [smem:$0x3F94];
	s0 =	simm.s32 @p1 $0x1  }
0x15: {  	[smem:$0x3FB1] =	sst s0;
	s0 =	simm.s32 @!p2 $0x0  }
0x16: {  	s3 =	sld [smem:$0x3FDB];
	s0 =	simm.s32 @p2 $0x1  }
0x17: {  	s4 =	simm.s32 $0x1BF5;
	[smem:$0x3FB3] =	sst s0  }
0x18: {  	s0 =	sld [smem:$0x3F96];
	_ =	swait.ge [sflag:s4], $0x0  }
0x19: {  	s7 =	sld [smem:$0x3F97]  }
0x1a: {  	s8 =	sadd.s32 $0xFFFFE003, lr  }
0x1b: {  	s9 =	sadd.s32 $0xFFFFFEF7, lr;
	s5 =	simm.s32 $0xFFFFFFFF;
	p2 =	slt.u32 s8, $0xFFFFF086  }
0x1c: {  	p1 =	slt.u32 s9, $0xF7A;
	s5 =	simm.s32 @!p2 $0x0  }
0x1d: {  	s5 =	simm.s32 @p1 $0x1;
	p0 =	seq.s32 s7, s2  }
0x1e: {  	s7 =	smul.u32 @!p0 $0xF7A, s2;
	p2 =	seq.s32 @!p0 s5, $0x0  }
0x1f: {  	s9 =	smul.u32 $0xF7A, s1;
	s8 =	simm.s32 @!p0 $0x1BF5;
	p2 =	por !p2, p0  }
0x20: {  	[sflag:s8] =	ssyncset.s32 @!p0 $0xFFFFF086;
	s6 =	sadd.s32 @!p0 s3, s7;
	s7 =	simm.s32 @!p0 $0x108  }
0x21: {  	s3 =	sadd.s32 s3, s9;
	s6 =	sadd.s32 @!p0 $0x88, s6;
	s7 =	simm.s32 @p2 $0x1082  }
0x22: {  	[simem:s7], [sflag:s8] =	dma.local @!p0 [hbm:s6], $0xF7A  }
0x23: {  	s9 =	sor.u32 $0xD0000000, s2;
	s6 =	simm.s32 $0x108;
	_ =	swait.ge @!p0 [sflag:s8], $0x0  }
0x24: {  	s3 =	sadd.s32 $0x88, s3;
	s6 =	simm.s32 @!p1 $0x1082;
	[sflag:s4] =	ssyncset.s32 $0xFFFFF086  }
0x25: {  	[simem:s6], [sflag:s4] =	dma.local [hbm:s3], $0xF7A  }
0x26: {  	[smem:$0x3F97] =	sst s1;
	(tag) =	ssettag s2;
	_ =	strace s9  }
0x27: {  	s1 =	sld [smem:$0x3FA7]  }
0x28: {  	s2 =	sld [smem:$0x3FA8]  }
0x29: {  	s4 =	sld [smem:$0x3FAA]  }
0x2a: {  	p0 =	seq.s32 s5, $0x0;
	s5 =	sld [smem:$0x3FAB]  }
0x2b: {  	s6 =	sld [smem:$0x3FAC]  }
0x2c: {  	s7 =	sld [smem:$0x3FAD]  }
0x2d: {  	s3 =	simm.s32 $0x108;
	s8 =	sld [smem:$0x3FAE]  }
0x2e: {  	s3 =	simm.s32 @!p0 $0x1082;
	s9 =	sld [smem:$0x3FAF]  }
0x2f: {  	lr =	sadd.s32 s0, s3;
	s0 =	sld [smem:$0x3FA6]  }
0x30: {  	s3 =	sld [smem:$0x3FA9]  }
0x31: {  	[smem:$0x3FB2] =	sst s10  }
0x32: {  	s10 =	sld [smem:$0x3FB0];
	_ =	sdelay $0x3  }
0x33: {  	p0 =	seq.s32 s10, $0x1;
	s10 =	sld [smem:$0x3FB2];
	_ =	sdelay $0x3  }
0x34: {  	[smem:$0x3FB2] =	sst s10  }
0x35: {  	s10 =	sld [smem:$0x3FB1];
	_ =	sdelay $0x3  }
0x36: {  	p1 =	seq.s32 s10, $0x1;
	s10 =	sld [smem:$0x3FB2];
	_ =	sdelay $0x3  }
0x37: {  	[smem:$0x3FB2] =	sst s10  }
0x38: {  	s10 =	sld [smem:$0x3FB3]  }
0x39: {  	_ = 	snop;
	(pc) =	sbr.ind lr, $3  }
0x3a: {  	_ = 	snop  }
0x3b: {  	_ = 	snop  }
0x3c: {  	p2 =	seq.s32 s10, $0x1;
	s10 =	sld [smem:$0x3FB2]  }
0x3d: {  	_ =	shalt  }
0x3e: {  	_ =	shalt  }
0x3f: {  	_ =	shalt  }
0x40: {  	_ =	shalt  }
0x41: {  	_ =	shalt  }
0x42: {  	_ =	shalt  }
0x43: {  	_ =	shalt  }
0x44: {  	_ =	shalt  }
0x45: {  	_ =	shalt  }
0x46: {  	_ =	shalt  }
0x47: {  	_ =	shalt  }
0x48: {  	_ =	shalt  }
0x49: {  	_ =	shalt  }
0x4a: {  	_ =	shalt  }
0x4b: {  	_ =	shalt  }
0x4c: {  	_ =	shalt  }
0x4d: {  	_ =	shalt  }
0x4e: {  	_ =	shalt  }
0x4f: {  	_ =	shalt  }
0x50: {  	_ =	shalt  }
0x51: {  	_ =	shalt  }
0x52: {  	_ =	shalt  }
0x53: {  	_ =	shalt  }
0x54: {  	_ =	shalt  }
0x55: {  	_ =	shalt  }
0x56: {  	_ =	shalt  }
0x57: {  	_ =	shalt  }
0x58: {  	_ =	shalt  }
0x59: {  	_ =	shalt  }
0x5a: {  	_ =	shalt  }
0x5b: {  	_ =	shalt  }
0x5c: {  	_ =	shalt  }
0x5d: {  	_ =	shalt  }
0x5e: {  	_ =	shalt  }
0x5f: {  	_ =	shalt  }
0x60: {  	_ =	shalt  }
0x61: {  	_ =	shalt  }
0x62: {  	_ =	shalt  }
0x63: {  	_ =	shalt  }
0x64: {  	_ =	shalt  }
0x65: {  	_ =	shalt  }
0x66: {  	_ =	shalt  }
0x67: {  	_ =	shalt  }
0x68: {  	_ =	shalt  }
0x69: {  	_ =	shalt  }
0x6a: {  	_ =	shalt  }
0x6b: {  	_ =	shalt  }
0x6c: {  	_ =	shalt  }
0x6d: {  	_ =	shalt  }
0x6e: {  	_ =	shalt  }
0x6f: {  	_ =	shalt  }
0x70: {  	_ =	shalt  }
0x71: {  	_ =	shalt  }
0x72: {  	_ =	shalt  }
0x73: {  	_ =	shalt  }
0x74: {  	_ =	shalt  }
0x75: {  	_ =	shalt  }
0x76: {  	_ =	shalt  }
0x77: {  	_ =	shalt  }
0x78: {  	_ =	shalt  }
0x79: {  	_ =	shalt  }
0x7a: {  	_ =	shalt  }
0x7b: {  	_ =	shalt  }
0x7c: {  	_ =	shalt  }
0x7d: {  	_ =	shalt  }
0x7e: {  	_ =	shalt  }
0x7f: {  	_ =	shalt  }
0x80: {  	_ =	shalt  }
0x81: {  	_ =	shalt  }
0x82: {  	_ =	shalt  }
0x83: {  	_ =	shalt  }
0x84: {  	_ =	shalt  }
0x85: {  	_ =	shalt  }
0x86: {  	_ =	shalt  }
0x87: {  	_ =	shalt  }
.Lfunc_end0:
.L_simem_size_0:
called_computation.1_lowered:
.L_overlay_start_0:
0x88: {  	s2 =	sld [smem:$0x3FD9]  }
0x89: {  	s3 =	sld [smem:$0x3FFE];
	_ =	sdelay $0x1  }
0x8a: {  	s1 =	srdreg.scid  }
0x8b: {  	s0 =	sand.u32 $0x1, s1  }
0x8c: {  	s17 =	sshll.u32 s0, $0xA;
	s2 =	sadd.s32 s3, s2  }
0x8d: {  	s2 =	sadd.s32 s2, s17  }
0x8e: {  	[smem:$0x3FBE] =	sst s2  }
0x8f: {  	_ = 	snop  }
0x90: {  	s2 =	sld [smem:$0x3FD0];
	(tm) =	ssettm $0x1  }
0x91: {  	s18 =	sld [smem:$0x3FFB];
	_ =	sdelay $0x3  }
0x92: {  	_ =	strace s18  }
0x93: {  	s3 =	sld [smem:$0x3FFC];
	_ =	sdelay $0x3  }
0x94: {  	_ =	strace s3  }
0x95: {  	s3 =	sld [smem:$0x3FFD];
	_ =	sdelay $0x3  }
0x96: {  	_ =	strace s3  }
0x97: {  	_ =	strace $0x8FFFFFFF  }
0x98: {  	s19 =	sld [smem:$0x3FDB];
	_ =	sdelay $0x1  }
0x99: {  	s4 =	simm.s32 $_scs_section_size  }
0x9a: {  	s5 =	simm.s32 $_size__tile_overlayer_lowered;
	s6 =	simm.s32 $_tile_overlayer_lowered  }
0x9b: {  	s22 =	simm.s32 $0x1BFF;
	s21 =	sshll.u32 s6, $0x1;
	s3 =	sadd.s32 s4, s19  }
0x9c: {  	s7 =	simm.s32 $0x0;
	s20 =	sshll.u32 s5, $0x1;
	s5 =	sadd.s32 s21, s3  }
0x9d: {  	[timem:s7], [sflag:s22] =	dma.local [hbm:s5], s20  }
0x9e: {  	_ =	swait.ge [sflag:s22], s20  }
0x9f: {  	s4 =	ssub.s32 $0x0, s20;
	[sflag:s22] =	ssyncset.done $0x0  }
0xa0: {  	[sflag:s22] =	ssyncadd.s32 s4;
	_ =	sdelay $0x1  }
0xa1: {  	s23 =	simm.s32 $0x1B8B  }
0xa2: {  	_ =	swait.ge [sflag:s23], $0x1  }
0xa3: {  	[sflag:s23] =	ssyncset.done $0x0  }
0xa4: {  	s25 =	simm.s32 $0x1B8E;
	s24 =	sld [smem:$0x3FFE];
	[sflag:s23] =	ssyncadd.s32 $0xFFFFFFFF  }
0xa5: {  	s26 =	simm.s32 $execute0_lowered;
	[smem:$0x3FD2] =	sst s25  }
0xa6: {  	s5 =	sshll.u32 s26, $0x1;
	_ =	strace $0x80000049;
	[dreg:$0x1] =	wrdreg $0xFFFFFFFF  }
0xa7: {  	s28 =	simm.s32 $_size_execute0_lowered;
	s3 =	sadd.s32 s3, s5;
	[dreg:$0x0] =	wrdreg $0x0  }
0xa8: {  	s5 =	sshll.u32 s28, $0x1;
	[dreg:$0x2] =	wrdreg s3  }
0xa9: {  	[dreg:$0x3] =	wrdreg s5  }
0xaa: {  	[dreg:$0x4] =	wrdreg $0xC0  }
0xab: {  	_ =	task [dreg:s7], $0x5FFFF  }
0xac: {  	[dreg:$0x1] =	wrdreg $0xFFFFFFFF  }
0xad: {  	[dreg:$0x0] =	wrdreg $0x60  }
0xae: {  	[dreg:$0x2] =	wrdreg s24  }
0xaf: {  	[dreg:$0x3] =	wrdreg s2  }
0xb0: {  	[dreg:$0x4] =	wrdreg $0x95000  }
0xb1: {  	[dreg:$0x5] =	wrdreg $0x9  }
0xb2: {  	_ =	task.clear_ibuf [dreg:s7], $0x6FFFF;
	_ =	strace $0x90000049  }
0xb3: {  	s29 =	simm.s32 $0x9;
	_ =	strace $0x8000004B  }
0xb4: {  	_ =	swait.ge [sflag:s29], $0x1  }
0xb5: {  	[sflag:s29] =	ssyncadd.s32 $0xFFFFFFFF  }
0xb6: {  	_ =	strace $0x9000004B  }
0xb7: {  	_ =	sfence  }
0xb8: {  	s30 =	sld [smem:$0x0];
	_ =	sdelay $0x2  }
0xb9: {  	s31 =	sshll.u32 s1, $0xD;
	s1 =	sshrl.u32 s1, $0x2  }
0xba: {  	s3 =	sand.u32 $0x4000, s31;
	s1 =	sadd.s32 s1, s30  }
0xbb: {  	s0 =	sor.u32 s3, s0;
	s1 =	sshll.u32 s1, $0x11  }
0xbc: {  	s0 =	sor.u32 s1, s0  }
0xbd: {  	s0 =	sadd.s32 $0x8F2B, s0  }
0xbe: {  	[sflag:s0] =	ssyncadd.remote.s32 $0x1  }
0xbf: {  	_ =	sfence.sel $0xFFFF  }
0xc0: {  	[dreg:$0x0] =	wrdreg $0xFFFFFFFF;
	(pc) =	sbr.abs _section_cstart, $3  }
0xc1: {  	[dreg:$0x1] =	wrdreg $0xFFFFFFFF  }
0xc2: {  	_ =	task.clear_ibuf [dreg:s7], $0x2FFFF;
	_ =	strace $0x9FFFFFFF  }
0xc3: {  	(tm) =	ssettm $0x7FFFFFFF  }
tec
execute0_lowered:
.L_overlay_start_1:
0x0: {  	(tag) =	ssettag $0x1  }
0x1: {  	s7 =	rddreg [dreg:$0x0]  }
0x2: {  	s9 =	rddreg [dreg:$0x1]  }
0x3: {  	s2 =	rddreg [dreg:$0x2]  }
0x4: {  	s0 =	rddreg [dreg:$0x3]  }
0x5: {  	s3 =	simm.s32 $0x0;
	s4 =	srdreg.scid;
	s1 =	stileid.u32  }
0x6: {  	s16 =	simm.s32 $0x2;
	s17 =	simm.s32 $0x7D;
	s18 =	simm.s32 $0x1800  }
0x7: {  	s19 =	simm.s32 $0x5680;
	s20 =	simm.s32 $0x3;
	s21 =	simm.s32 $0x800  }
0x8: {  	s22 =	simm.s32 $0x0;
	[smem:$0x7FF] =	sst s3;
	s8 =	sand.u32 $0x1, s4  }
0x9: {  	s10 =	smul.u32 $0x13880, s1;
	s4 =	sadd.s32 $0x16600, s7;
	s5 =	sadd.s32 $0xC600, s7  }
0xa: {  	s6 =	sadd.s32 $0x2600, s7;
	s13 =	sshll.u32 s1, $0x1;
	s11 =	smul.u32 $0x138800, s8  }
0xb: {  	_ =	strace $0x8000004A;
	s12 =	ssub.s32 $0x2, s8;
	s8 =	sor.u32 s8, s13  }
0xc: {  	s14 =	sshrl.u32 s12, $0x1;
	s15 =	sadd.s32 s10, s2;
	s11 =	sadd.s32 s10, s11  }
.Ltmp0:
0xd: {  	s14 =	ssub.s32 s12, s14;
	s11 =	sshrl.u32 s11, $0x3;
	(pc) =	sbr.rel .LBB2_1-.Ltmp0, $4  }
0xe: {  	s10 =	sshrl.u32 s10, $0x3;
	s30 =	sadd.s32 s11, s7;
	s7 =	smul.u32 $0x2800, s8  }
0xf: {  	s9 =	sadd.s32 s9, s10;
	s13 =	smax.u32 s14, $0x1;
	s14 =	sshrl.u32 s15, $0x3  }
0x10: {  	s15 =	simm.s32 $0x1;
	s8 =	sshll.u32 s1, $0x6;
	s31 =	sshrl.u32 s7, $0x3  }
0x11: {  	s10 =	sor.u32 $0x1C01, s8;
	s12 =	sadd.s32 $0x3D800, s30;
	s11 =	sadd.s32 s5, s31  }
.LBB2_8:
0x12: {  	s22 =	sadd.s32 $0x1, s22  }
0x13: {  	p0 =	sne.s32 s22, s13  }
.Ltmp1:
0x14: {  	[bflag:$0x0] =	sbarrier.arrive $0xFFFF;
	s23 =	sor.u32 $0x1C03, s8;
	(pc) =	sbr.rel @!p0 .LBB2_9-.Ltmp1, $4  }
0x15: {  	[hbm:s12], [sflag:s23] =	dma.local [spmem:s14], $0x2710  }
0x16: {  	_ =	swait.ge [sflag:s20], $0x2710  }
0x17: {  	[sflag:s20] =	ssyncset.done $0x0  }
0x18: {  	[sflag:s20] =	ssyncadd.s32 $0xFFFFD8F0  }
.LBB2_1:
0x19: {  	[spmem:s14], [sflag:s10] =	dma.local [hbm:s9], $0x2710  }
0x1a: {  	[tilespmem:s3], [sflag:$0x2] =	stream.linear.gather [hbm4b:s11+s3], $0x800, $0x38;
	[tilespmem:$0x1CD80] =	vst v63  }
0x1b: {  	_ =	swait.ge [sflag:s15], $0x2710  }
0x1c: {  	[sflag:s15] =	ssyncset.done $0x0  }
0x1d: {  	[sflag:s15] =	ssyncadd.s32 $0xFFFFD8F0  }
.Ltmp2:
0x1e: {  	_ =	swait.ge [sflag:s16], $0x800;
	(pc) =	sbr.rel .LBB2_2-.Ltmp2, $4  }
0x1f: {  	[sflag:s16] =	ssyncset.done $0x0  }
0x20: {  	[sflag:s16] =	ssyncadd.s32 $0xFFFFF800  }
0x21: {  	s23 =	simm.s32 $0x0;
	[bflag:$0x0] =	sbarrier.arrive $0xFFFF  }
0x22: {  	[tilespmem:s18], [sflag:$0x1] =	stream.indirect.gather [hbm4b:s4+s17], $0x80, s3, s17, $0xb8;
	[tilespmem:$0x1CD80] =	vst v63  }
.LBB2_6:
0x23: {  	s24 =	sshll.u32 s24, $0x7  }
0x24: {  	s24 =	sadd.s32 $0x100, s24  }
0x25: {  	s26 =	sadd.s32 $0x1, s23;
	s24 =	sand.u32 $0xF00, s24  }
0x26: {  	[tilespmem:s18], [sflag:$0x1] =	stream.indirect.gather [hbm4b:s4+s17], $0x80, s24, s17, $0xb8;
	[tilespmem:$0x1CD80] =	vst v63  }
.LBB2_7:
0x27: {  	_ =	swait.ge [sflag:s16], $0x3E80  }
0x28: {  	p0 =	slt.u32 s26, $0x28;
	[sflag:s16] =	ssyncset.done $0x0  }
.Ltmp3:
0x29: {  	s23 =	sadd.s32 $0x1080, s25;
	[sflag:s16] =	ssyncadd.s32 $0xFFFFC180;
	(pc) =	sbr.rel @!p0 .LBB2_8-.Ltmp3, $4  }
0x2a: {  	[spmem:s2] =	stream.indirect.scatter.add.f32 [tilespmem:s19], [sflag:$0x3], $0x80, s23, s17, $0xb8;
	[tilespmem:$0x1CD80] =	vst v63  }
0x2b: {  	_ =	swait.ge [sflag:s20], $0x3E80  }
0x2c: {  	[sflag:s20] =	ssyncset.done $0x0  }
0x2d: {  	s23 =	smov.u32 s26;
	[sflag:s20] =	ssyncadd.s32 $0xFFFFC180  }
.LBB2_2:
0x2e: {  	s24 =	sshll.u32 s23, $0x1  }
0x2f: {  	s28 =	sand.u32 $0xE, s24  }
0x30: {  	s26 =	sshrl.u32 s23, $0x3;
	p0 =	sne.s32 s28, $0x0  }
0x31: {  	s25 =	sshll.u32 @!p0 s26, $0xB  }
0x32: {  	s25 =	sadd.s32 @!p0 s7, s25  }
0x33: {  	s25 =	sshrl.u32 @!p0 s25, $0x3  }
0x34: {  	s29 =	simm.s32 @!p0 $0x0;
	s30 =	simm.s32 @!p0 $0x1000;
	s25 =	sadd.s32 @!p0 s6, s25  }
0x35: {  	[tilespmem:s30], [sflag:$0x3] =	stream.linear.gather @!p0 [hbm4b:s25+s29], $0x800, $0x38;
	[tilespmem:$0x1CD80] =	vst v63  }
0x36: {  	s29 =	simm.s32 @!p0 $0x3;
	s30 =	sshll.u32 s23, $0x8  }
0x37: {  	s25 =	sshll.u32 s28, $0x7;
	_ =	swait.ge @!p0 [sflag:s29], $0x800;
	s31 =	sand.u32 $0x800, s30  }
0x38: {  	[sflag:s29] =	ssyncset.done @!p0 $0x0;
	s30 =	sor.u32 s25, s31  }
0x39: {  	[sflag:s29] =	ssyncadd.s32 @!p0 $0xFFFFF800;
	s30 =	sadd.s32 $0x80, s30;
	p0 =	sgt.u32 s23, $0x1F  }
0x3a: {  	[tilespmem:s19], [sflag:$0x2] =	stream.indirect.gather [hbm4b:s4+s17], $0x80, s30, s17, $0xb8;
	[tilespmem:$0x1CD80] =	vst v63  }
0x3b: {  	p1 =	sne.s32 @!p0 s28, $0x4;
	_ =	swait.ge [sflag:s15], $0x3E80  }
0x3c: {  	p0 =	por p0, p1;
	[sflag:s15] =	ssyncset.done $0x0  }
.Ltmp4:
0x3d: {  	s31 =	sor.u32 $0x1000, s25;
	[sflag:s15] =	ssyncadd.s32 $0xFFFFC180;
	(pc) =	sbr.rel @p0 .LBB2_5-.Ltmp4, $4  }
0x3e: {  	[spmem:s2] =	stream.indirect.scatter.add.f32 [tilespmem:s18], [sflag:$0x3], $0x80, s31, s17, $0xb8;
	[tilespmem:$0x1CD80] =	vst v63  }
0x3f: {  	_ =	swait.ge [sflag:s20], $0x3E80  }
0x40: {  	[sflag:s20] =	ssyncset.done $0x0  }
0x41: {  	[sflag:s20] =	ssyncadd.s32 $0xFFFFC180  }
0x42: {  	s26 =	sadd.s32 $0x1, s26  }
0x43: {  	s28 =	sshll.u32 s26, $0xB  }
0x44: {  	s26 =	sand.u32 $0x1, s26;
	s28 =	sadd.s32 s7, s28  }
0x45: {  	p0 =	seq.s32 s26, $0x1;
	s31 =	sshrl.u32 s28, $0x3  }
0x46: {  	s28 =	simm.s32 @!p0 $0x0;
	s26 =	sadd.s32 s5, s31  }
0x47: {  	[tilespmem:s28], [sflag:$0x3] =	stream.linear.gather @!p0 [hbm4b:s26+s28], $0x800, $0x38;
	[tilespmem:$0x1CD80] =	vst v63  }
0x48: {  	s28 =	sand.u32 $0x8, s23  }
0x49: {  	p1 =	sne.s32 @!p0 s28, $0x0  }
0x4a: {  	p1 =	por p0, !p1  }
.Ltmp5:
0x4b: {  	_ = 	snop;
	(pc) =	sbr.rel @!p1 .LBB2_6-.Ltmp5, $4  }
0x4c: {  	s29 =	simm.s32 @!p0 $0x3  }
0x4d: {  	_ =	swait.ge @!p0 [sflag:s29], $0x800  }
0x4e: {  	[sflag:s29] =	ssyncset.done @!p0 $0x0  }
0x4f: {  	[sflag:s29] =	ssyncadd.s32 @!p0 $0xFFFFF800  }
.Ltmp6:
0x50: {  	(pc) =	sbr.rel .LBB2_6-.Ltmp6, $4  }
0x51: {  	[tilespmem:s21], [sflag:$0x3] =	stream.linear.gather [hbm4b:s26+s3], $0x800, $0x38;
	[tilespmem:$0x1CD80] =	vst v63  }
0x52: {  	_ =	swait.ge [sflag:s20], $0x800  }
0x53: {  	[sflag:s20] =	ssyncset.done $0x0  }
0x54: {  	[sflag:s20] =	ssyncadd.s32 $0xFFFFF800  }
.LBB2_5:
0x55: {  	p0 =	seq.s32 s23, $0x27  }
.Ltmp7:
0x56: {  	_ = 	snop;
	(pc) =	sbr.rel @p0 .LBB2_7-.Ltmp7, $4  }
.Ltmp8:
0x57: {  	_ = 	snop;
	(pc) =	sbr.rel @!p0 .LBB2_6-.Ltmp8, $4  }
0x58: {  	_ = 	snop  }
0x59: {  	_ = 	snop  }
0x5a: {  	s26 =	simm.s32 $0x28  }
0x5b: {  	_ = 	snop  }
.LBB2_9:
0x5c: {  	_ =	sfence.sel $0x180000  }
0x5d: {  	[bflag:$0x0] =	sbarrier.arrive $0xFFFF  }
0x5e: {  	p0 =	sne.s32 s1, $0x0;
	_ =	strace $0x9000004A  }
0x5f: {  	s0 =	sadd.s32 @!p0 $0x100000, s0;
	[bflag:$0x2] =	sbarrier.arrive $0xFFFF  }
0x60: {  	[sflag:s0] =	ssyncadd.tile.s32 @!p0 $0x1;
	_ =	shalt  }
.Lfunc_end2:
_tile_overlayer_lowered:
.L_overlay_start_2:
0x61: {  	(tag) =	ssettag $0x2  }
0x62: {  	s0 =	rddreg [dreg:$0x0];
	s2 =	stileid.u32  }
0x63: {  	s1 =	rddreg [dreg:$0x1];
	p0 =	sne.s32 s2, $0x0  }
0x64: {  	s3 =	rddreg [dreg:$0x2];
	[bflag:$0x3] =	sbarrier.arrive $0xFFFF;
	s2 =	simm.s32 @!p0 $0x1C03  }
0x65: {  	[timem:s3], [sflag:s2] =	dma.local @!p0 [hbm:s0], s1  }
0x66: {  	s0 =	simm.s32 @!p0 $0x3  }
0x67: {  	_ =	swait.ge @!p0 [sflag:s0], s1  }
0x68: {  	s1 =	ssub.s32 @!p0 $0x0, s1;
	[sflag:s0] =	ssyncset.done @!p0 $0x0  }
0x69: {  	[sflag:s0] =	ssyncadd.s32 @!p0 s1  }
0x6a: {  	[bflag:$0x3] =	sbarrier.arrive $0xFFFF  }
0x6b: {  	_ =	shalt  }

// kernel: kernel.9.cloned.1.call-start
scs
__scs_entry_jumppad:
0x0: {  	(pc) =	sbr.rel $0x88, $3  }
0x1: {  	(tag) =	ssettag $0x0;
	lr =	simm.s32 $0x1  }
0x2: {  	[smem:$0x3F97] =	sst lr;
	_ =	strace $0xD0000000  }
0x3: {  	_ = 	snop  }
0x4: {  	_ = 	snop  }
0x5: {  	_ = 	snop  }
0x6: {  	_ = 	snop  }
0x7: {  	_ = 	snop  }
__scs_overlays_trampoline_lowered:
0x8: {  	[smem:$0x3FA6] =	sst s0  }
0x9: {  	[smem:$0x3FA7] =	sst s1  }
0xa: {  	[smem:$0x3FA8] =	sst s2  }
0xb: {  	[smem:$0x3FA9] =	sst s3  }
0xc: {  	[smem:$0x3FAA] =	sst s4  }
0xd: {  	[smem:$0x3FAB] =	sst s5  }
0xe: {  	[smem:$0x3FAC] =	sst s6  }
0xf: {  	[smem:$0x3FAD] =	sst s7  }
0x10: {  	[smem:$0x3FAE] =	sst s8  }
0x11: {  	[smem:$0x3FAF] =	sst s9;
	s0 =	simm.s32 @!p0 $0x0  }
0x12: {  	s1 =	sld [smem:$0x3F95];
	s0 =	simm.s32 @p0 $0x1  }
0x13: {  	[smem:$0x3FB0] =	sst s0;
	s0 =	simm.s32 @!p1 $0x0  }
0x14: {  	s2 =	sld [smem:$0x3F94];
	s0 =	simm.s32 @p1 $0x1  }
0x15: {  	[smem:$0x3FB1] =	sst s0;
	s0 =	simm.s32 @!p2 $0x0  }
0x16: {  	s3 =	sld [smem:$0x3FDB];
	s0 =	simm.s32 @p2 $0x1  }
0x17: {  	s4 =	simm.s32 $0x1BF5;
	[smem:$0x3FB3] =	sst s0  }
0x18: {  	s0 =	sld [smem:$0x3F96];
	_ =	swait.ge [sflag:s4], $0x0  }
0x19: {  	s7 =	sld [smem:$0x3F97]  }
0x1a: {  	s8 =	sadd.s32 $0xFFFFE003, lr  }
0x1b: {  	s9 =	sadd.s32 $0xFFFFFEF7, lr;
	s5 =	simm.s32 $0xFFFFFFFF;
	p2 =	slt.u32 s8, $0xFFFFF086  }
0x1c: {  	p1 =	slt.u32 s9, $0xF7A;
	s5 =	simm.s32 @!p2 $0x0  }
0x1d: {  	s5 =	simm.s32 @p1 $0x1;
	p0 =	seq.s32 s7, s2  }
0x1e: {  	s7 =	smul.u32 @!p0 $0xF7A, s2;
	p2 =	seq.s32 @!p0 s5, $0x0  }
0x1f: {  	s9 =	smul.u32 $0xF7A, s1;
	s8 =	simm.s32 @!p0 $0x1BF5;
	p2 =	por !p2, p0  }
0x20: {  	[sflag:s8] =	ssyncset.s32 @!p0 $0xFFFFF086;
	s6 =	sadd.s32 @!p0 s3, s7;
	s7 =	simm.s32 @!p0 $0x108  }
0x21: {  	s3 =	sadd.s32 s3, s9;
	s6 =	sadd.s32 @!p0 $0x88, s6;
	s7 =	simm.s32 @p2 $0x1082  }
0x22: {  	[simem:s7], [sflag:s8] =	dma.local @!p0 [hbm:s6], $0xF7A  }
0x23: {  	s9 =	sor.u32 $0xD0000000, s2;
	s6 =	simm.s32 $0x108;
	_ =	swait.ge @!p0 [sflag:s8], $0x0  }
0x24: {  	s3 =	sadd.s32 $0x88, s3;
	s6 =	simm.s32 @!p1 $0x1082;
	[sflag:s4] =	ssyncset.s32 $0xFFFFF086  }
0x25: {  	[simem:s6], [sflag:s4] =	dma.local [hbm:s3], $0xF7A  }
0x26: {  	[smem:$0x3F97] =	sst s1;
	(tag) =	ssettag s2;
	_ =	strace s9  }
0x27: {  	s1 =	sld [smem:$0x3FA7]  }
0x28: {  	s2 =	sld [smem:$0x3FA8]  }
0x29: {  	s4 =	sld [smem:$0x3FAA]  }
0x2a: {  	p0 =	seq.s32 s5, $0x0;
	s5 =	sld [smem:$0x3FAB]  }
0x2b: {  	s6 =	sld [smem:$0x3FAC]  }
0x2c: {  	s7 =	sld [smem:$0x3FAD]  }
0x2d: {  	s3 =	simm.s32 $0x108;
	s8 =	sld [smem:$0x3FAE]  }
0x2e: {  	s3 =	simm.s32 @!p0 $0x1082;
	s9 =	sld [smem:$0x3FAF]  }
0x2f: {  	lr =	sadd.s32 s0, s3;
	s0 =	sld [smem:$0x3FA6]  }
0x30: {  	s3 =	sld [smem:$0x3FA9]  }
0x31: {  	[smem:$0x3FB2] =	sst s10  }
0x32: {  	s10 =	sld [smem:$0x3FB0];
	_ =	sdelay $0x3  }
0x33: {  	p0 =	seq.s32 s10, $0x1;
	s10 =	sld [smem:$0x3FB2];
	_ =	sdelay $0x3  }
0x34: {  	[smem:$0x3FB2] =	sst s10  }
0x35: {  	s10 =	sld [smem:$0x3FB1];
	_ =	sdelay $0x3  }
0x36: {  	p1 =	seq.s32 s10, $0x1;
	s10 =	sld [smem:$0x3FB2];
	_ =	sdelay $0x3  }
0x37: {  	[smem:$0x3FB2] =	sst s10  }
0x38: {  	s10 =	sld [smem:$0x3FB3]  }
0x39: {  	_ = 	snop;
	(pc) =	sbr.ind lr, $3  }
0x3a: {  	_ = 	snop  }
0x3b: {  	_ = 	snop  }
0x3c: {  	p2 =	seq.s32 s10, $0x1;
	s10 =	sld [smem:$0x3FB2]  }
0x3d: {  	_ =	shalt  }
0x3e: {  	_ =	shalt  }
0x3f: {  	_ =	shalt  }
0x40: {  	_ =	shalt  }
0x41: {  	_ =	shalt  }
0x42: {  	_ =	shalt  }
0x43: {  	_ =	shalt  }
0x44: {  	_ =	shalt  }
0x45: {  	_ =	shalt  }
0x46: {  	_ =	shalt  }
0x47: {  	_ =	shalt  }
0x48: {  	_ =	shalt  }
0x49: {  	_ =	shalt  }
0x4a: {  	_ =	shalt  }
0x4b: {  	_ =	shalt  }
0x4c: {  	_ =	shalt  }
0x4d: {  	_ =	shalt  }
0x4e: {  	_ =	shalt  }
0x4f: {  	_ =	shalt  }
0x50: {  	_ =	shalt  }
0x51: {  	_ =	shalt  }
0x52: {  	_ =	shalt  }
0x53: {  	_ =	shalt  }
0x54: {  	_ =	shalt  }
0x55: {  	_ =	shalt  }
0x56: {  	_ =	shalt  }
0x57: {  	_ =	shalt  }
0x58: {  	_ =	shalt  }
0x59: {  	_ =	shalt  }
0x5a: {  	_ =	shalt  }
0x5b: {  	_ =	shalt  }
0x5c: {  	_ =	shalt  }
0x5d: {  	_ =	shalt  }
0x5e: {  	_ =	shalt  }
0x5f: {  	_ =	shalt  }
0x60: {  	_ =	shalt  }
0x61: {  	_ =	shalt  }
0x62: {  	_ =	shalt  }
0x63: {  	_ =	shalt  }
0x64: {  	_ =	shalt  }
0x65: {  	_ =	shalt  }
0x66: {  	_ =	shalt  }
0x67: {  	_ =	shalt  }
0x68: {  	_ =	shalt  }
0x69: {  	_ =	shalt  }
0x6a: {  	_ =	shalt  }
0x6b: {  	_ =	shalt  }
0x6c: {  	_ =	shalt  }
0x6d: {  	_ =	shalt  }
0x6e: {  	_ =	shalt  }
0x6f: {  	_ =	shalt  }
0x70: {  	_ =	shalt  }
0x71: {  	_ =	shalt  }
0x72: {  	_ =	shalt  }
0x73: {  	_ =	shalt  }
0x74: {  	_ =	shalt  }
0x75: {  	_ =	shalt  }
0x76: {  	_ =	shalt  }
0x77: {  	_ =	shalt  }
0x78: {  	_ =	shalt  }
0x79: {  	_ =	shalt  }
0x7a: {  	_ =	shalt  }
0x7b: {  	_ =	shalt  }
0x7c: {  	_ =	shalt  }
0x7d: {  	_ =	shalt  }
0x7e: {  	_ =	shalt  }
0x7f: {  	_ =	shalt  }
0x80: {  	_ =	shalt  }
0x81: {  	_ =	shalt  }
0x82: {  	_ =	shalt  }
0x83: {  	_ =	shalt  }
0x84: {  	_ =	shalt  }
0x85: {  	_ =	shalt  }
0x86: {  	_ =	shalt  }
0x87: {  	_ =	shalt  }
.Lfunc_end0:
.L_simem_size_0:
called_computation_lowered:
.L_overlay_start_0:
0x88: {  	s2 =	sld [smem:$0x3FD9]  }
0x89: {  	s3 =	sld [smem:$0x3FFE];
	_ =	sdelay $0x1  }
0x8a: {  	s1 =	srdreg.scid  }
0x8b: {  	s0 =	sand.u32 $0x1, s1  }
0x8c: {  	s17 =	sshll.u32 s0, $0xA;
	s2 =	sadd.s32 s3, s2  }
0x8d: {  	s2 =	sadd.s32 s2, s17  }
0x8e: {  	[smem:$0x3FBE] =	sst s2  }
0x8f: {  	_ = 	snop  }
0x90: {  	s2 =	sld [smem:$0x3FC9]  }
0x91: {  	s18 =	sld [smem:$0x3FD0];
	(tm) =	ssettm $0x1  }
0x92: {  	s4 =	sld [smem:$0x3FFB];
	_ =	sdelay $0x3  }
0x93: {  	_ =	strace s4  }
0x94: {  	s4 =	sld [smem:$0x3FFC];
	_ =	sdelay $0x3  }
0x95: {  	_ =	strace s4  }
0x96: {  	s4 =	sld [smem:$0x3FFD];
	_ =	sdelay $0x3  }
0x97: {  	_ =	strace s4  }
0x98: {  	_ =	strace $0x8FFFFFFF  }
0x99: {  	s19 =	sld [smem:$0x3FDB];
	_ =	sdelay $0x1  }
0x9a: {  	s5 =	simm.s32 $_scs_section_size  }
0x9b: {  	s6 =	simm.s32 $_size__tile_overlayer_lowered;
	s7 =	simm.s32 $_tile_overlayer_lowered  }
0x9c: {  	s22 =	simm.s32 $0x1BFF;
	s21 =	sshll.u32 s7, $0x1;
	s4 =	sadd.s32 s5, s19  }
0x9d: {  	s8 =	simm.s32 $0x0;
	s20 =	sshll.u32 s6, $0x1;
	s6 =	sadd.s32 s21, s4  }
0x9e: {  	[timem:s8], [sflag:s22] =	dma.local [hbm:s6], s20  }
0x9f: {  	_ =	swait.ge [sflag:s22], s20  }
0xa0: {  	s5 =	ssub.s32 $0x0, s20;
	[sflag:s22] =	ssyncset.done $0x0  }
0xa1: {  	[sflag:s22] =	ssyncadd.s32 s5;
	_ =	sdelay $0x1  }
0xa2: {  	s23 =	simm.s32 $0x1B8B  }
0xa3: {  	_ =	swait.ge [sflag:s23], $0x1  }
0xa4: {  	[sflag:s23] =	ssyncset.done $0x0  }
0xa5: {  	s25 =	simm.s32 $0x1B8E;
	s24 =	sld [smem:$0x3FFE];
	[sflag:s23] =	ssyncadd.s32 $0xFFFFFFFF  }
0xa6: {  	s26 =	simm.s32 $execute0_lowered;
	[smem:$0x3FD2] =	sst s25  }
0xa7: {  	s6 =	sshll.u32 s26, $0x1;
	_ =	strace $0x80000046;
	[dreg:$0x1] =	wrdreg $0xFFFFFFFF  }
0xa8: {  	s28 =	simm.s32 $_size_execute0_lowered;
	s4 =	sadd.s32 s4, s6;
	[dreg:$0x0] =	wrdreg $0x0  }
0xa9: {  	s6 =	sshll.u32 s28, $0x1;
	[dreg:$0x2] =	wrdreg s4  }
0xaa: {  	[dreg:$0x3] =	wrdreg s6  }
0xab: {  	[dreg:$0x4] =	wrdreg $0xC0  }
0xac: {  	_ =	task [dreg:s8], $0x5FFFF  }
0xad: {  	[dreg:$0x1] =	wrdreg $0xFFFFFFFF  }
0xae: {  	[dreg:$0x0] =	wrdreg $0x60  }
0xaf: {  	[dreg:$0x2] =	wrdreg s2  }
0xb0: {  	[dreg:$0x3] =	wrdreg s24  }
0xb1: {  	[dreg:$0x4] =	wrdreg s18  }
0xb2: {  	[dreg:$0x5] =	wrdreg $0x95000  }
0xb3: {  	[dreg:$0x6] =	wrdreg $0x1D5500  }
0xb4: {  	[dreg:$0x7] =	wrdreg $0x9  }
0xb5: {  	_ =	task.clear_ibuf [dreg:s8], $0x8FFFF;
	_ =	strace $0x90000046  }
0xb6: {  	s29 =	simm.s32 $0x9;
	_ =	strace $0x80000048  }
0xb7: {  	_ =	swait.ge [sflag:s29], $0x1  }
0xb8: {  	[sflag:s29] =	ssyncadd.s32 $0xFFFFFFFF  }
0xb9: {  	_ =	strace $0x90000048  }
0xba: {  	_ =	sfence  }
0xbb: {  	s30 =	sld [smem:$0x0];
	_ =	sdelay $0x2  }
0xbc: {  	s31 =	sshll.u32 s1, $0xD;
	s1 =	sshrl.u32 s1, $0x2  }
0xbd: {  	s3 =	sand.u32 $0x4000, s31;
	s1 =	sadd.s32 s1, s30  }
0xbe: {  	s0 =	sor.u32 s3, s0;
	s1 =	sshll.u32 s1, $0x11  }
0xbf: {  	s0 =	sor.u32 s1, s0  }
0xc0: {  	s0 =	sadd.s32 $0x8F2B, s0  }
0xc1: {  	[sflag:s0] =	ssyncadd.remote.s32 $0x1  }
0xc2: {  	_ =	sfence.sel $0xFFFF  }
0xc3: {  	[dreg:$0x0] =	wrdreg $0xFFFFFFFF;
	(pc) =	sbr.abs _section_cstart, $3  }
0xc4: {  	[dreg:$0x1] =	wrdreg $0xFFFFFFFF  }
0xc5: {  	_ =	task.clear_ibuf [dreg:s8], $0x2FFFF;
	_ =	strace $0x9FFFFFFF  }
0xc6: {  	(tm) =	ssettm $0x7FFFFFFF  }
0xc7: {  	_ =	shalt  }
tec
execute0_lowered:
.L_overlay_start_1:
0x0: {  	(tag) =	ssettag $0x1  }
0x1: {  	s1 =	rddreg [dreg:$0x0]  }
0x2: {  	s0 =	rddreg [dreg:$0x1]  }
0x3: {  	s2 =	rddreg [dreg:$0x2]  }
0x4: {  	s3 =	rddreg [dreg:$0x3]  }
0x5: {  	s4 =	rddreg [dreg:$0x4];
	s19 =	stileid.u32  }
0x6: {  	s6 =	srdreg.scid;
	s5 =	simm.s32 $0x0;
	s20 =	simm.s32 $0x3  }
0x7: {  	s21 =	simm.s32 $0x1CD80;
	s28 =	simm.s32 $0x800;
	s29 =	simm.s32 $0x0  }
0x8: {  	s9 =	sand.u32 $0x1, s6;
	s10 =	smul.u32 $0x13880, s19;
	[smem:$0x7FF] =	sst s5  }
0x9: {  	s13 =	smul.u32 $0x2710, s19;
	s6 =	sadd.s32 $0xC600, s0;
	s7 =	sadd.s32 $0x2600, s0  }
0xa: {  	s22 =	sadd.s32 $0x16600, s0;
	s25 =	sshll.u32 s19, $0x1;
	s8 =	smul.u32 $0x138800, s9  }
0xb: {  	s19 =	sshll.u32 s19, $0x6;
	_ =	strace $0x80000047;
	s14 =	smul.u32 $0x27100, s9  }
0xc: {  	[dreg:$0x6] =	wrdreg s22;
	s24 =	ssub.s32 $0x2, s9;
	s9 =	sor.u32 s9, s25  }
0xd: {  	s26 =	sor.u32 $0x1C01, s19;
	s22 =	simm.s32 $0x1;
	s25 =	simm.s32 $0x1800  }
0xe: {  	s11 =	sshrl.u32 s13, $0x3;
	s17 =	sshrl.u32 s24, $0x1;
	s9 =	smul.u32 $0x2800, s9  }
0xf: {  	s18 =	sadd.s32 s10, s3;
	[dreg:$0x8] =	wrdreg s26;
	s31 =	sadd.s32 s13, s4  }
0x10: {  	s26 =	simm.s32 $0x5680;
	s8 =	sadd.s32 s10, s8;
	s15 =	sadd.s32 s11, s0  }
0x11: {  	s23 =	sadd.s32 s13, s14;
	s17 =	ssub.s32 s24, s17;
	s10 =	sshrl.u32 s10, $0x3  }
0x12: {  	s24 =	simm.s32 $0x7D;
	s12 =	sshrl.u32 s8, $0x3;
	s11 =	sshrl.u32 s23, $0x3  }
.Ltmp0:
0x13: {  	s2 =	sadd.s32 s2, s10;
	s30 =	sshrl.u32 s9, $0x3;
	(pc) =	sbr.rel .LBB2_1-.Ltmp0, $4  }
0x14: {  	s13 =	sadd.s32 $0x16800, s15;
	s23 =	simm.s32 $0x2;
	s16 =	sadd.s32 s12, s0  }
0x15: {  	s0 =	sadd.s32 s11, s0;
	[dreg:$0x7] =	wrdreg s2;
	s12 =	sadd.s32 s6, s30  }
0x16: {  	s14 =	sadd.s32 $0x25600, s16;
	s15 =	sadd.s32 $0x1B800, s0;
	s16 =	smax.u32 s17, $0x1  }
0x17: {  	s17 =	sshrl.u32 s18, $0x3;
	s18 =	sor.u32 $0x1C03, s19;
	s19 =	sshrl.u32 s31, $0x3  }
.LBB2_8:
0x18: {  	[bflag:$0x0] =	sbarrier.arrive $0xFFFF  }
0x19: {  	[hbm:s14], [sflag:s18] =	dma.local [spmem:s17], $0x2710  }
0x1a: {  	s29 =	sadd.s32 $0x1, s29;
	_ =	swait.ge [sflag:s20], $0x2710  }
0x1b: {  	p0 =	sne.s32 s29, s16;
	[sflag:s20] =	ssyncset.done $0x0  }
.Ltmp1:
0x1c: {  	[sflag:s20] =	ssyncadd.s32 $0xFFFFD8F0;
	(pc) =	sbr.rel @!p0 .LBB2_9-.Ltmp1, $4  }
0x1d: {  	[hbm:s15], [sflag:s18] =	dma.local [spmem:s19], $0x4E2  }
0x1e: {  	_ =	swait.ge [sflag:s20], $0x4E2  }
0x1f: {  	[sflag:s20] =	ssyncset.done $0x0  }
0x20: {  	[sflag:s20] =	ssyncadd.s32 $0xFFFFFB1E  }
.LBB2_1:
0x21: {  	s0 =	rddreg [dreg:$0x7]  }
0x22: {  	s2 =	rddreg [dreg:$0x8]  }
0x23: {  	[spmem:s17], [sflag:s2] =	dma.local [hbm:s0], $0x2710  }
0x24: {  	[tilespmem:s5], [sflag:$0x2] =	stream.linear.gather [hbm4b:s12+s5], $0x800, $0x38;
	[tilespmem:$0x1FC60] =	vst v63  }
0x25: {  	[spmem:s19], [sflag:s18] =	dma.local [hbm:s13], $0x4E2  }
0x26: {  	_ =	swait.ge [sflag:s20], $0x4E2  }
0x27: {  	[sflag:s20] =	ssyncset.done $0x0  }
0x28: {  	s31 =	rddreg [dreg:$0x6];
	[sflag:s20] =	ssyncadd.s32 $0xFFFFFB1E  }
0x29: {  	[tilespmem:s21], [sflag:$0x3] =	stream.linear.gather [hbm4b:s31+s5], $0x7D0, $0x38;
	[tilespmem:$0x1FC60] =	vst v63  }
0x2a: {  	_ =	swait.ge [sflag:s20], $0x7D0  }
0x2b: {  	[sflag:s20] =	ssyncset.done $0x0  }
0x2c: {  	[sflag:s20] =	ssyncadd.s32 $0xFFFFF830  }
0x2d: {  	_ =	swait.ge [sflag:s22], $0x2710  }
0x2e: {  	[sflag:s22] =	ssyncset.done $0x0  }
0x2f: {  	[sflag:s22] =	ssyncadd.s32 $0xFFFFD8F0  }
.Ltmp2:
0x30: {  	_ =	swait.ge [sflag:s23], $0x800;
	(pc) =	sbr.rel .LBB2_2-.Ltmp2, $4  }
0x31: {  	[sflag:s23] =	ssyncset.done $0x0  }
0x32: {  	[sflag:s23] =	ssyncadd.s32 $0xFFFFF800  }
0x33: {  	s30 =	simm.s32 $0x0;
	[bflag:$0x0] =	sbarrier.arrive $0xFFFF  }
0x34: {  	[tilespmem:s25], [sflag:$0x1] =	stream.indirect.gather [hbm4b:s1+s24], $0x80, s5, s24, $0xb8;
	[tilespmem:$0x1FC60] =	vst v63  }
.LBB2_6:
0x35: {  	s2 =	sshll.u32 s31, $0x7  }
0x36: {  	s2 =	sadd.s32 $0x100, s2  }
0x37: {  	s2 =	sand.u32 $0xF00, s2  }
0x38: {  	[tilespmem:s25], [sflag:$0x1] =	stream.indirect.gather [hbm4b:s1+s24], $0x80, s2, s24, $0xb8;
	[tilespmem:$0x1FC60] =	vst v63  }
0x39: {  	s2 =	sadd.s32 $0x1, s30  }
.LBB2_7:
0x3a: {  	_ =	swait.ge [sflag:s23], $0x3E80  }
0x3b: {  	[sflag:s23] =	ssyncset.done $0x0  }
0x3c: {  	s0 =	sadd.s32 $0x1080, s0;
	[sflag:s23] =	ssyncadd.s32 $0xFFFFC180  }
0x3d: {  	[spmem:s3] =	stream.indirect.scatter.add.f32 [tilespmem:s26], [sflag:$0x3], $0x80, s0, s24, $0xb8;
	[tilespmem:$0x1FC60] =	vst v63  }
0x3e: {  	_ =	swait.ge [sflag:s20], $0x3E80  }
0x3f: {  	p0 =	slt.u32 s2, $0x28;
	[sflag:s20] =	ssyncset.done $0x0  }
.Ltmp3:
0x40: {  	[sflag:s20] =	ssyncadd.s32 $0xFFFFC180;
	(pc) =	sbr.rel @!p0 .LBB2_8-.Ltmp3, $4  }
0x41: {  	[spmem:s4] =	stream.indirect.scatter.add.f32 [tilespmem:s21], [sflag:$0x3], $0x10, s0, s24, $0xb8;
	[tilespmem:$0x1FC60] =	vst v63  }
0x42: {  	_ =	swait.ge [sflag:s20], $0x7D0  }
0x43: {  	[sflag:s20] =	ssyncset.done $0x0  }
0x44: {  	s30 =	smov.u32 s2;
	[sflag:s20] =	ssyncadd.s32 $0xFFFFF830  }
.LBB2_2:
0x45: {  	s31 =	sshll.u32 s30, $0x1  }
0x46: {  	s8 =	sand.u32 $0xE, s31  }
0x47: {  	s2 =	sshrl.u32 s30, $0x3;
	p0 =	sne.s32 s8, $0x0  }
0x48: {  	s0 =	sshll.u32 @!p0 s2, $0xB  }
0x49: {  	s0 =	sadd.s32 @!p0 s9, s0  }
0x4a: {  	s0 =	sshrl.u32 @!p0 s0, $0x3  }
0x4b: {  	s10 =	simm.s32 @!p0 $0x0;
	s11 =	simm.s32 @!p0 $0x1000;
	s0 =	sadd.s32 @!p0 s7, s0  }
0x4c: {  	[tilespmem:s11], [sflag:$0x3] =	stream.linear.gather @!p0 [hbm4b:s0+s10], $0x800, $0x38;
	[tilespmem:$0x1FC60] =	vst v63  }
0x4d: {  	s10 =	simm.s32 @!p0 $0x3;
	s11 =	sshll.u32 s30, $0x8  }
0x4e: {  	s0 =	sshll.u32 s8, $0x7;
	_ =	swait.ge @!p0 [sflag:s10], $0x800;
	s11 =	sand.u32 $0x800, s11  }
0x4f: {  	[sflag:s10] =	ssyncset.done @!p0 $0x0;
	s11 =	sor.u32 s0, s11  }
0x50: {  	[sflag:s10] =	ssyncadd.s32 @!p0 $0xFFFFF800;
	s11 =	sadd.s32 $0x80, s11  }
0x51: {  	[tilespmem:s26], [sflag:$0x2] =	stream.indirect.gather [hbm4b:s1+s24], $0x80, s11, s24, $0xb8;
	[tilespmem:$0x1FC60] =	vst v63  }
0x52: {  	_ =	swait.ge [sflag:s22], $0x3E80  }
0x53: {  	[sflag:s22] =	ssyncset.done $0x0  }
0x54: {  	p0 =	sgt.u32 s30, $0x1F;
	s11 =	sor.u32 $0x1000, s0;
	[sflag:s22] =	ssyncadd.s32 $0xFFFFC180  }
0x55: {  	[spmem:s3] =	stream.indirect.scatter.add.f32 [tilespmem:s25], [sflag:$0x3], $0x80, s11, s24, $0xb8;
	[tilespmem:$0x1FC60] =	vst v63  }
0x56: {  	p1 =	sne.s32 @!p0 s8, $0x4;
	_ =	swait.ge [sflag:s20], $0x3E80  }
0x57: {  	p0 =	por p0, p1;
	[sflag:s20] =	ssyncset.done $0x0  }
.Ltmp4:
0x58: {  	[sflag:s20] =	ssyncadd.s32 $0xFFFFC180;
	(pc) =	sbr.rel @p0 .LBB2_5-.Ltmp4, $4  }
0x59: {  	[spmem:s4] =	stream.indirect.scatter.add.f32 [tilespmem:s21], [sflag:$0x3], $0x10, s11, s24, $0xb8;
	[tilespmem:$0x1FC60] =	vst v63  }
0x5a: {  	_ =	swait.ge [sflag:s20], $0x7D0  }
0x5b: {  	[sflag:s20] =	ssyncset.done $0x0  }
0x5c: {  	[sflag:s20] =	ssyncadd.s32 $0xFFFFF830  }
0x5d: {  	s2 =	sadd.s32 $0x1, s2  }
0x5e: {  	s8 =	sshll.u32 s2, $0xB  }
0x5f: {  	s2 =	sand.u32 $0x1, s2;
	s8 =	sadd.s32 s9, s8  }
0x60: {  	p0 =	seq.s32 s2, $0x1;
	s11 =	sshrl.u32 s8, $0x3  }
0x61: {  	s8 =	simm.s32 @!p0 $0x0;
	s2 =	sadd.s32 s6, s11  }
0x62: {  	[tilespmem:s8], [sflag:$0x3] =	stream.linear.gather @!p0 [hbm4b:s2+s8], $0x800, $0x38;
	[tilespmem:$0x1FC60] =	vst v63  }
0x63: {  	s8 =	sand.u32 $0x8, s30  }
0x64: {  	p1 =	sne.s32 @!p0 s8, $0x0  }
0x65: {  	p1 =	por p0, !p1  }
.Ltmp5:
0x66: {  	_ = 	snop;
	(pc) =	sbr.rel @!p1 .LBB2_6-.Ltmp5, $4  }
0x67: {  	s10 =	simm.s32 @!p0 $0x3  }
0x68: {  	_ =	swait.ge @!p0 [sflag:s10], $0x800  }
0x69: {  	[sflag:s10] =	ssyncset.done @!p0 $0x0  }
0x6a: {  	[sflag:s10] =	ssyncadd.s32 @!p0 $0xFFFFF800  }
.Ltmp6:
0x6b: {  	(pc) =	sbr.rel .LBB2_6-.Ltmp6, $4  }
0x6c: {  	[tilespmem:s28], [sflag:$0x3] =	stream.linear.gather [hbm4b:s2+s5], $0x800, $0x38;
	[tilespmem:$0x1FC60] =	vst v63  }
0x6d: {  	_ =	swait.ge [sflag:s20], $0x800  }
0x6e: {  	[sflag:s20] =	ssyncset.done $0x0  }
0x6f: {  	[sflag:s20] =	ssyncadd.s32 $0xFFFFF800  }
.LBB2_5:
0x70: {  	p0 =	seq.s32 s30, $0x27  }
.Ltmp7:
0x71: {  	_ = 	snop;
	(pc) =	sbr.rel @p0 .LBB2_7-.Ltmp7, $4  }
.Ltmp8:
0x72: {  	_ = 	snop;
	(pc) =	sbr.rel @!p0 .LBB2_6-.Ltmp8, $4  }
0x73: {  	_ = 	snop  }
0x74: {  	_ = 	snop  }
0x75: {  	s2 =	simm.s32 $0x28  }
0x76: {  	_ = 	snop  }
.LBB2_9:
0x77: {  	_ =	sfence.sel $0x180000  }
0x78: {  	[bflag:$0x0] =	sbarrier.arrive $0xFFFF  }
0x79: {  	_ =	strace $0x90000047  }
0x7a: {  	s0 =	stileid.u32;
	[bflag:$0x2] =	sbarrier.arrive $0xFFFF  }
0x7b: {  	p0 =	sne.s32 s0, $0x0;
	s0 =	rddreg [dreg:$0x5]  }
0x7c: {  	s0 =	sadd.s32 @!p0 $0x100000, s0  }
0x7d: {  	[sflag:s0] =	ssyncadd.tile.s32 @!p0 $0x1;
	_ =	shalt  }
.Lfunc_end2:
_tile_overlayer_lowered:
.L_overlay_start_2:
0x7e: {  	(tag) =	ssettag $0x2  }
0x7f: {  	s0 =	rddreg [dreg:$0x0];
	s2 =	stileid.u32  }
0x80: {  	s1 =	rddreg [dreg:$0x1];
	p0 =	sne.s32 s2, $0x0  }
0x81: {  	s3 =	rddreg [dreg:$0x2];
	[bflag:$0x3] =	sbarrier.arrive $0xFFFF;
	s2 =	simm.s32 @!p0 $0x1C03  }
0x82: {  	[timem:s3], [sflag:s2] =	dma.local @!p0 [hbm:s0], s1  }
0x83: {  	s0 =	simm.s32 @!p0 $0x3  }
0x84: {  	_ =	swait.ge @!p0 [sflag:s0], s1  }
0x85: {  	s1 =	ssub.s32 @!p0 $0x0, s1;
	[sflag:s0] =	ssyncset.done @!p0 $0x0  }
0x86: {  	[sflag:s0] =	ssyncadd.s32 @!p0 s1  }
0x87: {  	[bflag:$0x3] =	sbarrier.arrive $0xFFFF  }
0x88: {  	_ =	shalt  }

</sc_bundles>
